<compile_context>
chip_gen: v7x
topology: tpu7x:2x2x1
jax: 0.10.2.dev20260603
libtpu: 0.0.44.dev20260713+nightly
codegen_flags: <defaults>
</compile_context>

<pallas_src>
import jax
import jax.numpy as jnp
from jax import lax
from jax.experimental import pallas as pl
from jax.experimental.pallas import tpu as pltpu
from jax.experimental.pallas import tpu_sc as plsc

VOCAB = 1000
VPAD = 1024
DIM = 128
BATCH = 1024
HIST = 50
VT = 16
NC, NS = 2, 16
NW = NC * NS
TILES_PER_W = (VPAD // VT) // NW
B_GROUPS = BATCH // 16
UNITS = TILES_PER_W * HIST
LAST_FULL_VT = VOCAB // VT - 1
PART_VT = VOCAB // VT
PART_ROWS = VOCAB % VT


def _table_body(head_ref, emb_ref, out_ref):
    out_ref[pl.ds(0, VOCAB), :] = lax.dot_general(
        head_ref[...], emb_ref[...],
        dimension_numbers=(((1,), (1,)), ((), ())),
        preferred_element_type=jnp.float32,
    )


def _make_table(head, emb):
    return pl.pallas_call(
        _table_body,
        out_shape=jax.ShapeDtypeStruct((VPAD, VOCAB), jnp.float32),
    )(head, emb)


def _gather_body(table_hbm, idst_hbm, out_hbm, dump_hbm,
                 ids_v, tbl_v, tile0, tile1, tile2, sem0, sem1, sem2,
                 sem_tbl):
    wid = lax.axis_index("s") * NC + lax.axis_index("c")
    ids_cp = pltpu.async_copy(idst_hbm, ids_v, sem_tbl)

    tiles = (tile0, tile1, tile2)
    sems = (sem0, sem1, sem2)
    NBUF = 3

    def _compute(l, tile):
        @plsc.parallel_loop(0, B_GROUPS, 1, unroll=2)
        def per_group(g):
            goff = pl.multiple_of(g * 16, 16)
            idxg = ids_v[l, pl.ds(goff, 16)]
            xs = [plsc.load_gather(tbl_v.at[pl.ds(r * VOCAB, VOCAB)], [idxg])
                  for r in range(VT)]
            for r in range(VT):
                tile[r, pl.ds(goff, 16)] = xs[r]

    def _emit(vt, l, buf):
        v0 = pl.multiple_of(vt * VT, VT)

        @pl.when(vt <= LAST_FULL_VT)
        def _():
            pltpu.async_copy(tiles[buf], out_hbm.at[l, pl.ds(v0, VT), :],
                             sems[buf])

        @pl.when(vt == PART_VT)
        def _():
            pltpu.async_copy(tiles[buf].at[pl.ds(0, PART_ROWS), :],
                             out_hbm.at[l, pl.ds(v0, PART_ROWS), :],
                             sems[buf])
            pltpu.async_copy(tiles[buf].at[pl.ds(PART_ROWS, VT - PART_ROWS), :],
                             dump_hbm.at[pl.ds(0, VT - PART_ROWS), :],
                             sems[buf])

        @pl.when(vt > PART_VT)
        def _():
            pltpu.async_copy(tiles[buf], dump_hbm, sems[buf])

    def _drain(buf):
        pltpu.make_async_copy(out_hbm.at[0, pl.ds(0, VT), :], tiles[buf],
                              sems[buf]).wait()

    def unit(t, carry):
        vt = wid * TILES_PER_W + t // HIST
        l = t % HIST

        @pl.when(l == 0)
        def _():
            pltpu.sync_copy(
                table_hbm.at[pl.ds(pl.multiple_of(vt * (VT * VOCAB), 8),
                                   VT * VOCAB)],
                tbl_v)

        for b in range(NBUF):
            @pl.when(jnp.logical_and(t >= NBUF, t % NBUF == b))
            def _(b=b):
                _drain(b)

        for b in range(NBUF):
            @pl.when(t % NBUF == b)
            def _(b=b):
                _compute(l, tiles[b])
                _emit(vt, l, b)

        return carry

    ids_cp.wait()
    lax.fori_loop(0, UNITS, unit, 0)
    for b in range(NBUF):
        _drain(b)


def _gather_cols(table, ids_t):
    mesh = plsc.VectorSubcoreMesh(core_axis_name="c", subcore_axis_name="s")
    k = pl.kernel(
        _gather_body,
        out_type=(jax.ShapeDtypeStruct((HIST, VOCAB, BATCH), jnp.float32),
                  jax.ShapeDtypeStruct((VT, BATCH), jnp.float32)),
        mesh=mesh,
        compiler_params=pltpu.CompilerParams(needs_layout_passes=False),
        scratch_types=[
            pltpu.VMEM((HIST, BATCH), jnp.int32),
            pltpu.VMEM((VT * VOCAB,), jnp.float32),
            pltpu.VMEM((VT, BATCH), jnp.float32),
            pltpu.VMEM((VT, BATCH), jnp.float32),
            pltpu.VMEM((VT, BATCH), jnp.float32),
            pltpu.SemaphoreType.DMA,
            pltpu.SemaphoreType.DMA,
            pltpu.SemaphoreType.DMA,
            pltpu.SemaphoreType.DMA,
        ],
    )
    out, _ = k(table, ids_t)
    return out


def kernel(ids, emb_weight, head_weight):
    table = _make_table(head_weight, emb_weight).reshape(-1)
    ids_t = ids.astype(jnp.int32).T
    out_lvb = _gather_cols(table, ids_t)
    return jnp.transpose(out_lvb, (2, 0, 1))

# --- scband reference (transcript-rebuilt; emitter-appended) ---
"""Pipeline reference for scband-tiny-lm-65687229825638 (READ-ONLY COPY).

The authoritative reference and input builder live on the scoring server;
editing this copy changes nothing except your own understanding.
"""

import jax, jax.numpy as jnp
import numpy as np

VOCAB = 1000
DIM = 128
BATCH = 1024
HIST = 50

def setup_inputs(seed: int = 0) -> dict:
    key = jax.random.key(seed)
    k_ids, k_emb, k_head = jax.random.split(key, 3)
    ids = jax.random.randint(k_ids, (BATCH, HIST), 0, VOCAB, dtype=jnp.int64 if jax.config.jax_enable_x64 else jnp.int32)
    emb_weight = jax.random.normal(k_emb, (VOCAB, DIM), dtype=jnp.float32)
    head_weight = jax.random.normal(k_head, (VOCAB, DIM), dtype=jnp.float32) * (1.0 / np.sqrt(DIM))
    return {"ids": ids, "emb_weight": emb_weight, "head_weight": head_weight}

def reference(ids, emb_weight, head_weight):
    # nn.Embedding lookup: gather rows of emb_weight
    h = jnp.take(emb_weight, ids, axis=0)            # [B, L, DIM]
    # nn.Linear(dim, vocab, bias=False): h @ W^T with W: [vocab, dim]
    logits = jnp.einsum('bld,vd->blv', h, head_weight)  # [B, L, VOCAB]
    return logits

if __name__ == "__main__":
    import jax
    _d = setup_inputs()
    print(jax.jit(kernel)(*tuple(_d.values())))

</pallas_src>

<mosaic_0001>
#map = affine_map<(d0, d1) -> (0)>
#map1 = affine_map<(d0, d1) -> (0, 0)>
#map2 = affine_map<(d0, d1) -> (0, 0, 0)>
module attributes {stable_mosaic.version = 14 : i64} {
  func.func @_gather_body(%arg0: i32, %arg1: i32, %arg2: memref<1024000xf32, #tpu.memory_space<hbm>>, %arg3: memref<50x1024xi32, #tpu.memory_space<hbm>>, %arg4: memref<50x1000x1024xf32, #tpu.memory_space<hbm>>, %arg5: memref<16x1024xf32, #tpu.memory_space<hbm>>, %arg6: memref<50x1024xi32, #tpu.memory_space<vmem>>, %arg7: memref<16000xf32, #tpu.memory_space<vmem>>, %arg8: memref<16x1024xf32, #tpu.memory_space<vmem>>, %arg9: memref<16x1024xf32, #tpu.memory_space<vmem>>, %arg10: memref<16x1024xf32, #tpu.memory_space<vmem>>, %arg11: memref<!tpu.dma_semaphore, #tpu.memory_space<semaphore_mem>>, %arg12: memref<!tpu.dma_semaphore, #tpu.memory_space<semaphore_mem>>, %arg13: memref<!tpu.dma_semaphore, #tpu.memory_space<semaphore_mem>>, %arg14: memref<!tpu.dma_semaphore, #tpu.memory_space<semaphore_mem>>) attributes {dimension_semantics = [#tpu.dimension_semantics<core_parallel>, #tpu.dimension_semantics<subcore_parallel>], iteration_bounds = array<i64: 2, 16>, scalar_prefetch = 0 : i64, scratch_operands = 9 : i64, tpu.core_type = #tpu.core_type<sc_vector_subcore>, window_params = [{transform_indices = #map}, {transform_indices = #map1}, {transform_indices = #map2}, {transform_indices = #map1}]} {
    %mul3A = arith.constant 2 : i32
    %mul3A_0 = arith.muli %arg1, %mul3A : i32
    %add3A = arith.addi %mul3A_0, %arg0 : i32
    tpu.enqueue_dma source(%arg3 : memref<50x1024xi32, #tpu.memory_space<hbm>>) target(%arg6 : memref<50x1024xi32, #tpu.memory_space<vmem>>) target_semaphore(%arg14 : memref<!tpu.dma_semaphore, #tpu.memory_space<semaphore_mem>>)
    tpu.wait_dma2 semaphore(%arg14 : memref<!tpu.dma_semaphore, #tpu.memory_space<semaphore_mem>>) src(%arg3 : memref<50x1024xi32, #tpu.memory_space<hbm>>) dst(%arg6 : memref<50x1024xi32, #tpu.memory_space<vmem>>)
    %scan3A = arith.constant 0 : i32
    %scan3A_1 = arith.constant 0 : i32
    %scan3A_2 = arith.constant 100 : i32
    %scan3A_3 = arith.addi %scan3A_1, %scan3A_2 : i32
    %scan3A_4 = arith.constant 1 : i32
    scf.for %scan3A_32 = %scan3A_1 to %scan3A_3 step %scan3A_4  : i32 {
      %mul3A_33 = arith.constant 2 : i32
      %mul3A_34 = arith.muli %add3A, %mul3A_33 : i32
      %jit3A = arith.constant 50 : i32
      %div3A = arith.divsi %scan3A_32, %jit3A : i32
      %sign3A = arith.constant 0 : i32
      %sign3A_35 = arith.cmpi sgt, %scan3A_32, %sign3A : i32
      %sign3A_36 = arith.extui %sign3A_35 : i1 to i32
      %sign3A_37 = arith.constant 0 : i32
      %sign3A_38 = arith.cmpi slt, %scan3A_32, %sign3A_37 : i32
      %sign3A_39 = arith.extui %sign3A_38 : i1 to i32
      %sign3A_40 = arith.subi %sign3A_36, %sign3A_39 : i32
      %sign3A_41 = arith.constant 0 : i32
      %sign3A_42 = arith.cmpi sgt, %jit3A, %sign3A_41 : i32
      %sign3A_43 = arith.extui %sign3A_42 : i1 to i32
      %sign3A_44 = arith.constant 0 : i32
      %sign3A_45 = arith.cmpi slt, %jit3A, %sign3A_44 : i32
      %sign3A_46 = arith.extui %sign3A_45 : i1 to i32
      %sign3A_47 = arith.subi %sign3A_43, %sign3A_46 : i32
      %ne3A = arith.cmpi ne, %sign3A_40, %sign3A_47 : i32
      %rem3A = arith.remsi %scan3A_32, %jit3A : i32
      %ne3A_48 = arith.constant 0 : i32
      %ne3A_49 = arith.cmpi ne, %rem3A, %ne3A_48 : i32
      %and3A = arith.andi %ne3A, %ne3A_49 : i1
      %sub3A = arith.constant 1 : i32
      %sub3A_50 = arith.subi %div3A, %sub3A : i32
      %select_n3A = arith.select %and3A, %sub3A_50, %div3A : i32
      %add3A_51 = arith.addi %mul3A_34, %select_n3A : i32
      %jit3A_52 = arith.constant 50 : i32
      %eq3A = arith.constant 0 : i32
      %eq3A_53 = arith.cmpi eq, %jit3A_52, %eq3A : i32
      %jit3A_54 = arith.constant 1 : i32
      %select_n3A_55 = arith.select %eq3A_53, %jit3A_54, %jit3A_52 : i32
      %rem3A_56 = arith.remsi %scan3A_32, %select_n3A_55 : i32
      %ne3A_57 = arith.constant 0 : i32
      %ne3A_58 = arith.cmpi ne, %rem3A_56, %ne3A_57 : i32
      %lt3A = arith.constant 0 : i32
      %lt3A_59 = arith.cmpi slt, %rem3A_56, %lt3A : i32
      %lt3A_60 = arith.constant 0 : i32
      %lt3A_61 = arith.cmpi slt, %select_n3A_55, %lt3A_60 : i32
      %ne3A_62 = arith.xori %lt3A_59, %lt3A_61 : i1
      %and3A_63 = arith.andi %ne3A_62, %ne3A_58 : i1
      %add3A_64 = arith.addi %rem3A_56, %select_n3A_55 : i32
      %select_n3A_65 = arith.select %and3A_63, %add3A_64, %rem3A_56 : i32
      %eq3A_66 = arith.constant 0 : i32
      %eq3A_67 = arith.cmpi eq, %select_n3A_65, %eq3A_66 : i32
      %convert_element_type3A = arith.extui %eq3A_67 : i1 to i32
      %cond3A = arith.constant 0 : i32
      %cond3A_68 = arith.cmpi ne, %convert_element_type3A, %cond3A : i32
      scf.if %cond3A_68 {
        %mul3A_203 = arith.constant 16000 : i32
        %mul3A_204 = arith.muli %add3A_51, %mul3A_203 : i32
        %multiple_of3A = tpu.assume_multiple %mul3A_204, 8 : i32
        "tpu.region"() ({
          %run_scoped3A = tpu.sem_alloc : memref<!tpu.dma_semaphore, #tpu.memory_space<semaphore_mem>>
          %dma_start3A = tpu.memref_slice %arg2[%multiple_of3A] : memref<1024000xf32, #tpu.memory_space<hbm>> -> memref<16000xf32, #tpu.memory_space<hbm>>
          %dma_start3A_205 = tpu.memref_slice %arg2[%multiple_of3A] : memref<1024000xf32, #tpu.memory_space<hbm>> -> memref<16000xf32, #tpu.memory_space<hbm>>
          tpu.enqueue_dma source(%dma_start3A_205 : memref<16000xf32, #tpu.memory_space<hbm>>) target(%arg7 : memref<16000xf32, #tpu.memory_space<vmem>>) target_semaphore(%run_scoped3A : memref<!tpu.dma_semaphore, #tpu.memory_space<semaphore_mem>>)
          %dma_wait3A_206 = tpu.memref_slice %arg2[%multiple_of3A] : memref<1024000xf32, #tpu.memory_space<hbm>> -> memref<16000xf32, #tpu.memory_space<hbm>>
          %dma_wait3A_207 = tpu.memref_slice %arg2[%multiple_of3A] : memref<1024000xf32, #tpu.memory_space<hbm>> -> memref<16000xf32, #tpu.memory_space<hbm>>
          tpu.wait_dma2 semaphore(%run_scoped3A : memref<!tpu.dma_semaphore, #tpu.memory_space<semaphore_mem>>) src(%dma_wait3A_207 : memref<16000xf32, #tpu.memory_space<hbm>>) dst(%arg7 : memref<16000xf32, #tpu.memory_space<vmem>>)
          tpu.yield
        }) : () -> ()
      } else {
      }
      %ge3A = arith.constant 3 : i32
      %ge3A_69 = arith.cmpi sge, %scan3A_32, %ge3A : i32
      %jit3A_70 = arith.constant 3 : i32
      %eq3A_71 = arith.constant 0 : i32
      %eq3A_72 = arith.cmpi eq, %jit3A_70, %eq3A_71 : i32
      %jit3A_73 = arith.constant 1 : i32
      %select_n3A_74 = arith.select %eq3A_72, %jit3A_73, %jit3A_70 : i32
      %rem3A_75 = arith.remsi %scan3A_32, %select_n3A_74 : i32
      %ne3A_76 = arith.constant 0 : i32
      %ne3A_77 = arith.cmpi ne, %rem3A_75, %ne3A_76 : i32
      %lt3A_78 = arith.constant 0 : i32
      %lt3A_79 = arith.cmpi slt, %rem3A_75, %lt3A_78 : i32
      %lt3A_80 = arith.constant 0 : i32
      %lt3A_81 = arith.cmpi slt, %select_n3A_74, %lt3A_80 : i32
      %ne3A_82 = arith.xori %lt3A_79, %lt3A_81 : i1
      %and3A_83 = arith.andi %ne3A_82, %ne3A_77 : i1
      %add3A_84 = arith.addi %rem3A_75, %select_n3A_74 : i32
      %select_n3A_85 = arith.select %and3A_83, %add3A_84, %rem3A_75 : i32
      %eq3A_86 = arith.constant 0 : i32
      %eq3A_87 = arith.cmpi eq, %select_n3A_85, %eq3A_86 : i32
      %and3A_88 = arith.andi %ge3A_69, %eq3A_87 : i1
      %convert_element_type3A_89 = arith.extui %and3A_88 : i1 to i32
      %cond3A_90 = arith.constant 0 : i32
      %cond3A_91 = arith.cmpi ne, %convert_element_type3A_89, %cond3A_90 : i32
      scf.if %cond3A_91 {
        %dma_wait3A_203 = arith.constant 0 : i32
        %dma_wait3A_204 = arith.constant 0 : i32
        %dma_wait3A_205 = arith.constant 0 : i32
        %dma_wait3A_206 = tpu.memref_slice %arg4[%dma_wait3A_203, %dma_wait3A_204, %dma_wait3A_205] : memref<50x1000x1024xf32, #tpu.memory_space<hbm>> -> memref<1x16x1024xf32, #tpu.memory_space<hbm>>
        %dma_wait3A_207 = tpu.memref_squeeze %dma_wait3A_206 : memref<1x16x1024xf32, #tpu.memory_space<hbm>> -> memref<16x1024xf32, #tpu.memory_space<hbm>>
        %dma_wait3A_208 = arith.constant 0 : i32
        %dma_wait3A_209 = arith.constant 0 : i32
        %dma_wait3A_210 = tpu.memref_slice %arg4[%dma_wait3A_203, %dma_wait3A_208, %dma_wait3A_209] : memref<50x1000x1024xf32, #tpu.memory_space<hbm>> -> memref<1x16x1024xf32, #tpu.memory_space<hbm>>
        %dma_wait3A_211 = tpu.memref_squeeze %dma_wait3A_210 : memref<1x16x1024xf32, #tpu.memory_space<hbm>> -> memref<16x1024xf32, #tpu.memory_space<hbm>>
        tpu.wait_dma2 semaphore(%arg11 : memref<!tpu.dma_semaphore, #tpu.memory_space<semaphore_mem>>) src(%dma_wait3A_211 : memref<16x1024xf32, #tpu.memory_space<hbm>>) dst(%arg8 : memref<16x1024xf32, #tpu.memory_space<vmem>>)
      } else {
      }
      %ge3A_92 = arith.constant 3 : i32
      %ge3A_93 = arith.cmpi sge, %scan3A_32, %ge3A_92 : i32
      %jit3A_94 = arith.constant 3 : i32
      %eq3A_95 = arith.constant 0 : i32
      %eq3A_96 = arith.cmpi eq, %jit3A_94, %eq3A_95 : i32
      %jit3A_97 = arith.constant 1 : i32
      %select_n3A_98 = arith.select %eq3A_96, %jit3A_97, %jit3A_94 : i32
      %rem3A_99 = arith.remsi %scan3A_32, %select_n3A_98 : i32
      %ne3A_100 = arith.constant 0 : i32
      %ne3A_101 = arith.cmpi ne, %rem3A_99, %ne3A_100 : i32
      %lt3A_102 = arith.constant 0 : i32
      %lt3A_103 = arith.cmpi slt, %rem3A_99, %lt3A_102 : i32
      %lt3A_104 = arith.constant 0 : i32
      %lt3A_105 = arith.cmpi slt, %select_n3A_98, %lt3A_104 : i32
      %ne3A_106 = arith.xori %lt3A_103, %lt3A_105 : i1
      %and3A_107 = arith.andi %ne3A_106, %ne3A_101 : i1
      %add3A_108 = arith.addi %rem3A_99, %select_n3A_98 : i32
      %select_n3A_109 = arith.select %and3A_107, %add3A_108, %rem3A_99 : i32
      %eq3A_110 = arith.constant 1 : i32
      %eq3A_111 = arith.cmpi eq, %select_n3A_109, %eq3A_110 : i32
      %and3A_112 = arith.andi %ge3A_93, %eq3A_111 : i1
      %convert_element_type3A_113 = arith.extui %and3A_112 : i1 to i32
      %cond3A_114 = arith.constant 0 : i32
      %cond3A_115 = arith.cmpi ne, %convert_element_type3A_113, %cond3A_114 : i32
      scf.if %cond3A_115 {
        %dma_wait3A_203 = arith.constant 0 : i32
        %dma_wait3A_204 = arith.constant 0 : i32
        %dma_wait3A_205 = arith.constant 0 : i32
        %dma_wait3A_206 = tpu.memref_slice %arg4[%dma_wait3A_203, %dma_wait3A_204, %dma_wait3A_205] : memref<50x1000x1024xf32, #tpu.memory_space<hbm>> -> memref<1x16x1024xf32, #tpu.memory_space<hbm>>
        %dma_wait3A_207 = tpu.memref_squeeze %dma_wait3A_206 : memref<1x16x1024xf32, #tpu.memory_space<hbm>> -> memref<16x1024xf32, #tpu.memory_space<hbm>>
        %dma_wait3A_208 = arith.constant 0 : i32
        %dma_wait3A_209 = arith.constant 0 : i32
        %dma_wait3A_210 = tpu.memref_slice %arg4[%dma_wait3A_203, %dma_wait3A_208, %dma_wait3A_209] : memref<50x1000x1024xf32, #tpu.memory_space<hbm>> -> memref<1x16x1024xf32, #tpu.memory_space<hbm>>
        %dma_wait3A_211 = tpu.memref_squeeze %dma_wait3A_210 : memref<1x16x1024xf32, #tpu.memory_space<hbm>> -> memref<16x1024xf32, #tpu.memory_space<hbm>>
        tpu.wait_dma2 semaphore(%arg12 : memref<!tpu.dma_semaphore, #tpu.memory_space<semaphore_mem>>) src(%dma_wait3A_211 : memref<16x1024xf32, #tpu.memory_space<hbm>>) dst(%arg9 : memref<16x1024xf32, #tpu.memory_space<vmem>>)
      } else {
      }
      %ge3A_116 = arith.constant 3 : i32
      %ge3A_117 = arith.cmpi sge, %scan3A_32, %ge3A_116 : i32
      %jit3A_118 = arith.constant 3 : i32
      %eq3A_119 = arith.constant 0 : i32
      %eq3A_120 = arith.cmpi eq, %jit3A_118, %eq3A_119 : i32
      %jit3A_121 = arith.constant 1 : i32
      %select_n3A_122 = arith.select %eq3A_120, %jit3A_121, %jit3A_118 : i32
      %rem3A_123 = arith.remsi %scan3A_32, %select_n3A_122 : i32
      %ne3A_124 = arith.constant 0 : i32
      %ne3A_125 = arith.cmpi ne, %rem3A_123, %ne3A_124 : i32
      %lt3A_126 = arith.constant 0 : i32
      %lt3A_127 = arith.cmpi slt, %rem3A_123, %lt3A_126 : i32
      %lt3A_128 = arith.constant 0 : i32
      %lt3A_129 = arith.cmpi slt, %select_n3A_122, %lt3A_128 : i32
      %ne3A_130 = arith.xori %lt3A_127, %lt3A_129 : i1
      %and3A_131 = arith.andi %ne3A_130, %ne3A_125 : i1
      %add3A_132 = arith.addi %rem3A_123, %select_n3A_122 : i32
      %select_n3A_133 = arith.select %and3A_131, %add3A_132, %rem3A_123 : i32
      %eq3A_134 = arith.constant 2 : i32
      %eq3A_135 = arith.cmpi eq, %select_n3A_133, %eq3A_134 : i32
      %and3A_136 = arith.andi %ge3A_117, %eq3A_135 : i1
      %convert_element_type3A_137 = arith.extui %and3A_136 : i1 to i32
      %cond3A_138 = arith.constant 0 : i32
      %cond3A_139 = arith.cmpi ne, %convert_element_type3A_137, %cond3A_138 : i32
      scf.if %cond3A_139 {
        %dma_wait3A_203 = arith.constant 0 : i32
        %dma_wait3A_204 = arith.constant 0 : i32
        %dma_wait3A_205 = arith.constant 0 : i32
        %dma_wait3A_206 = tpu.memref_slice %arg4[%dma_wait3A_203, %dma_wait3A_204, %dma_wait3A_205] : memref<50x1000x1024xf32, #tpu.memory_space<hbm>> -> memref<1x16x1024xf32, #tpu.memory_space<hbm>>
        %dma_wait3A_207 = tpu.memref_squeeze %dma_wait3A_206 : memref<1x16x1024xf32, #tpu.memory_space<hbm>> -> memref<16x1024xf32, #tpu.memory_space<hbm>>
        %dma_wait3A_208 = arith.constant 0 : i32
        %dma_wait3A_209 = arith.constant 0 : i32
        %dma_wait3A_210 = tpu.memref_slice %arg4[%dma_wait3A_203, %dma_wait3A_208, %dma_wait3A_209] : memref<50x1000x1024xf32, #tpu.memory_space<hbm>> -> memref<1x16x1024xf32, #tpu.memory_space<hbm>>
        %dma_wait3A_211 = tpu.memref_squeeze %dma_wait3A_210 : memref<1x16x1024xf32, #tpu.memory_space<hbm>> -> memref<16x1024xf32, #tpu.memory_space<hbm>>
        tpu.wait_dma2 semaphore(%arg13 : memref<!tpu.dma_semaphore, #tpu.memory_space<semaphore_mem>>) src(%dma_wait3A_211 : memref<16x1024xf32, #tpu.memory_space<hbm>>) dst(%arg10 : memref<16x1024xf32, #tpu.memory_space<vmem>>)
      } else {
      }
      %jit3A_140 = arith.constant 3 : i32
      %eq3A_141 = arith.constant 0 : i32
      %eq3A_142 = arith.cmpi eq, %jit3A_140, %eq3A_141 : i32
      %jit3A_143 = arith.constant 1 : i32
      %select_n3A_144 = arith.select %eq3A_142, %jit3A_143, %jit3A_140 : i32
      %rem3A_145 = arith.remsi %scan3A_32, %select_n3A_144 : i32
      %ne3A_146 = arith.constant 0 : i32
      %ne3A_147 = arith.cmpi ne, %rem3A_145, %ne3A_146 : i32
      %lt3A_148 = arith.constant 0 : i32
      %lt3A_149 = arith.cmpi slt, %rem3A_145, %lt3A_148 : i32
      %lt3A_150 = arith.constant 0 : i32
      %lt3A_151 = arith.cmpi slt, %select_n3A_144, %lt3A_150 : i32
      %ne3A_152 = arith.xori %lt3A_149, %lt3A_151 : i1
      %and3A_153 = arith.andi %ne3A_152, %ne3A_147 : i1
      %add3A_154 = arith.addi %rem3A_145, %select_n3A_144 : i32
      %select_n3A_155 = arith.select %and3A_153, %add3A_154, %rem3A_145 : i32
      %eq3A_156 = arith.constant 0 : i32
      %eq3A_157 = arith.cmpi eq, %select_n3A_155, %eq3A_156 : i32
      %convert_element_type3A_158 = arith.extui %eq3A_157 : i1 to i32
      %cond3A_159 = arith.constant 0 : i32
      %cond3A_160 = arith.cmpi ne, %convert_element_type3A_158, %cond3A_159 : i32
      scf.if %cond3A_160 {
        %parallel_loop3A = arith.constant 0 : i32
        %parallel_loop3A_203 = arith.constant 64 : i32
        %parallel_loop3A_204 = arith.constant 1 : i32
        scf.for %parallel_loop3A_220 = %parallel_loop3A to %parallel_loop3A_203 step %parallel_loop3A_204  : i32 {
          %parallel_loop3A_221 = arith.constant 16 : i32
          %parallel_loop3A_222 = arith.muli %parallel_loop3A_220, %parallel_loop3A_221 : i32
          %parallel_loop3A_223 = tpu.assume_multiple %parallel_loop3A_222, 16 : i32
          %parallel_loop3A_224 = arith.index_cast %select_n3A_65 : i32 to index
          %parallel_loop3A_225 = arith.index_cast %parallel_loop3A_223 : i32 to index
          %parallel_loop3A_226 = tpu.vector_load %arg6[%parallel_loop3A_224, %parallel_loop3A_225] {strides = array<i32>} : memref<50x1024xi32, #tpu.memory_space<vmem>>, vector<16xi32>,
          %parallel_loop3A_227 = arith.constant 0 : i32
          %parallel_loop3A_228 = tpu.memref_slice %arg7[%parallel_loop3A_227] : memref<16000xf32, #tpu.memory_space<vmem>> -> memref<1000xf32, #tpu.memory_space<vmem>>
          %parallel_loop3A_229 = tpu.vector_load_idx %parallel_loop3A_228[%parallel_loop3A_226] : memref<1000xf32, #tpu.memory_space<vmem>>[vector<16xi32>], vector<16xf32>,
          %parallel_loop3A_230 = arith.constant 1000 : i32
          %parallel_loop3A_231 = tpu.memref_slice %arg7[%parallel_loop3A_230] : memref<16000xf32, #tpu.memory_space<vmem>> -> memref<1000xf32, #tpu.memory_space<vmem>>
          %parallel_loop3A_232 = tpu.vector_load_idx %parallel_loop3A_231[%parallel_loop3A_226] : memref<1000xf32, #tpu.memory_space<vmem>>[vector<16xi32>], vector<16xf32>,
          %parallel_loop3A_233 = arith.constant 2000 : i32
          %parallel_loop3A_234 = tpu.memref_slice %arg7[%parallel_loop3A_233] : memref<16000xf32, #tpu.memory_space<vmem>> -> memref<1000xf32, #tpu.memory_space<vmem>>
          %parallel_loop3A_235 = tpu.vector_load_idx %parallel_loop3A_234[%parallel_loop3A_226] : memref<1000xf32, #tpu.memory_space<vmem>>[vector<16xi32>], vector<16xf32>,
          %parallel_loop3A_236 = arith.constant 3000 : i32
          %parallel_loop3A_237 = tpu.memref_slice %arg7[%parallel_loop3A_236] : memref<16000xf32, #tpu.memory_space<vmem>> -> memref<1000xf32, #tpu.memory_space<vmem>>
          %parallel_loop3A_238 = tpu.vector_load_idx %parallel_loop3A_237[%parallel_loop3A_226] : memref<1000xf32, #tpu.memory_space<vmem>>[vector<16xi32>], vector<16xf32>,
          %parallel_loop3A_239 = arith.constant 4000 : i32
          %parallel_loop3A_240 = tpu.memref_slice %arg7[%parallel_loop3A_239] : memref<16000xf32, #tpu.memory_space<vmem>> -> memref<1000xf32, #tpu.memory_space<vmem>>
          %parallel_loop3A_241 = tpu.vector_load_idx %parallel_loop3A_240[%parallel_loop3A_226] : memref<1000xf32, #tpu.memory_space<vmem>>[vector<16xi32>], vector<16xf32>,
          %parallel_loop3A_242 = arith.constant 5000 : i32
          %parallel_loop3A_243 = tpu.memref_slice %arg7[%parallel_loop3A_242] : memref<16000xf32, #tpu.memory_space<vmem>> -> memref<1000xf32, #tpu.memory_space<vmem>>
          %parallel_loop3A_244 = tpu.vector_load_idx %parallel_loop3A_243[%parallel_loop3A_226] : memref<1000xf32, #tpu.memory_space<vmem>>[vector<16xi32>], vector<16xf32>,
          %parallel_loop3A_245 = arith.constant 6000 : i32
          %parallel_loop3A_246 = tpu.memref_slice %arg7[%parallel_loop3A_245] : memref<16000xf32, #tpu.memory_space<vmem>> -> memref<1000xf32, #tpu.memory_space<vmem>>
          %parallel_loop3A_247 = tpu.vector_load_idx %parallel_loop3A_246[%parallel_loop3A_226] : memref<1000xf32, #tpu.memory_space<vmem>>[vector<16xi32>], vector<16xf32>,
          %parallel_loop3A_248 = arith.constant 7000 : i32
          %parallel_loop3A_249 = tpu.memref_slice %arg7[%parallel_loop3A_248] : memref<16000xf32, #tpu.memory_space<vmem>> -> memref<1000xf32, #tpu.memory_space<vmem>>
          %parallel_loop3A_250 = tpu.vector_load_idx %parallel_loop3A_249[%parallel_loop3A_226] : memref<1000xf32, #tpu.memory_space<vmem>>[vector<16xi32>], vector<16xf32>,
          %parallel_loop3A_251 = arith.constant 8000 : i32
          %parallel_loop3A_252 = tpu.memref_slice %arg7[%parallel_loop3A_251] : memref<16000xf32, #tpu.memory_space<vmem>> -> memref<1000xf32, #tpu.memory_space<vmem>>
          %parallel_loop3A_253 = tpu.vector_load_idx %parallel_loop3A_252[%parallel_loop3A_226] : memref<1000xf32, #tpu.memory_space<vmem>>[vector<16xi32>], vector<16xf32>,
          %parallel_loop3A_254 = arith.constant 9000 : i32
          %parallel_loop3A_255 = tpu.memref_slice %arg7[%parallel_loop3A_254] : memref<16000xf32, #tpu.memory_space<vmem>> -> memref<1000xf32, #tpu.memory_space<vmem>>
          %parallel_loop3A_256 = tpu.vector_load_idx %parallel_loop3A_255[%parallel_loop3A_226] : memref<1000xf32, #tpu.memory_space<vmem>>[vector<16xi32>], vector<16xf32>,
          %parallel_loop3A_257 = arith.constant 10000 : i32
          %parallel_loop3A_258 = tpu.memref_slice %arg7[%parallel_loop3A_257] : memref<16000xf32, #tpu.memory_space<vmem>> -> memref<1000xf32, #tpu.memory_space<vmem>>
          %parallel_loop3A_259 = tpu.vector_load_idx %parallel_loop3A_258[%parallel_loop3A_226] : memref<1000xf32, #tpu.memory_space<vmem>>[vector<16xi32>], vector<16xf32>,
          %parallel_loop3A_260 = arith.constant 11000 : i32
          %parallel_loop3A_261 = tpu.memref_slice %arg7[%parallel_loop3A_260] : memref<16000xf32, #tpu.memory_space<vmem>> -> memref<1000xf32, #tpu.memory_space<vmem>>
          %parallel_loop3A_262 = tpu.vector_load_idx %parallel_loop3A_261[%parallel_loop3A_226] : memref<1000xf32, #tpu.memory_space<vmem>>[vector<16xi32>], vector<16xf32>,
          %parallel_loop3A_263 = arith.constant 12000 : i32
          %parallel_loop3A_264 = tpu.memref_slice %arg7[%parallel_loop3A_263] : memref<16000xf32, #tpu.memory_space<vmem>> -> memref<1000xf32, #tpu.memory_space<vmem>>
          %parallel_loop3A_265 = tpu.vector_load_idx %parallel_loop3A_264[%parallel_loop3A_226] : memref<1000xf32, #tpu.memory_space<vmem>>[vector<16xi32>], vector<16xf32>,
          %parallel_loop3A_266 = arith.constant 13000 : i32
          %parallel_loop3A_267 = tpu.memref_slice %arg7[%parallel_loop3A_266] : memref<16000xf32, #tpu.memory_space<vmem>> -> memref<1000xf32, #tpu.memory_space<vmem>>
          %parallel_loop3A_268 = tpu.vector_load_idx %parallel_loop3A_267[%parallel_loop3A_226] : memref<1000xf32, #tpu.memory_space<vmem>>[vector<16xi32>], vector<16xf32>,
          %parallel_loop3A_269 = arith.constant 14000 : i32
          %parallel_loop3A_270 = tpu.memref_slice %arg7[%parallel_loop3A_269] : memref<16000xf32, #tpu.memory_space<vmem>> -> memref<1000xf32, #tpu.memory_space<vmem>>
          %parallel_loop3A_271 = tpu.vector_load_idx %parallel_loop3A_270[%parallel_loop3A_226] : memref<1000xf32, #tpu.memory_space<vmem>>[vector<16xi32>], vector<16xf32>,
          %parallel_loop3A_272 = arith.constant 15000 : i32
          %parallel_loop3A_273 = tpu.memref_slice %arg7[%parallel_loop3A_272] : memref<16000xf32, #tpu.memory_space<vmem>> -> memref<1000xf32, #tpu.memory_space<vmem>>
          %parallel_loop3A_274 = tpu.vector_load_idx %parallel_loop3A_273[%parallel_loop3A_226] : memref<1000xf32, #tpu.memory_space<vmem>>[vector<16xi32>], vector<16xf32>,
          %parallel_loop3A_275 = arith.constant 0 : i32
          %parallel_loop3A_276 = arith.index_cast %parallel_loop3A_275 : i32 to index
          %parallel_loop3A_277 = arith.index_cast %parallel_loop3A_223 : i32 to index
          %parallel_loop3A_278 = tpu.vector_load %arg8[%parallel_loop3A_276, %parallel_loop3A_277] {strides = array<i32>} : memref<16x1024xf32, #tpu.memory_space<vmem>>, vector<16xf32>,
          tpu.vector_store %arg8[%parallel_loop3A_276, %parallel_loop3A_277], %parallel_loop3A_229 {strides = array<i32>} : memref<16x1024xf32, #tpu.memory_space<vmem>>, vector<16xf32>,
          %parallel_loop3A_279 = arith.constant 1 : i32
          %parallel_loop3A_280 = arith.index_cast %parallel_loop3A_279 : i32 to index
          %parallel_loop3A_281 = arith.index_cast %parallel_loop3A_223 : i32 to index
          %parallel_loop3A_282 = tpu.vector_load %arg8[%parallel_loop3A_280, %parallel_loop3A_281] {strides = array<i32>} : memref<16x1024xf32, #tpu.memory_space<vmem>>, vector<16xf32>,
          tpu.vector_store %arg8[%parallel_loop3A_280, %parallel_loop3A_281], %parallel_loop3A_232 {strides = array<i32>} : memref<16x1024xf32, #tpu.memory_space<vmem>>, vector<16xf32>,
          %parallel_loop3A_283 = arith.constant 2 : i32
          %parallel_loop3A_284 = arith.index_cast %parallel_loop3A_283 : i32 to index
          %parallel_loop3A_285 = arith.index_cast %parallel_loop3A_223 : i32 to index
          %parallel_loop3A_286 = tpu.vector_load %arg8[%parallel_loop3A_284, %parallel_loop3A_285] {strides = array<i32>} : memref<16x1024xf32, #tpu.memory_space<vmem>>, vector<16xf32>,
          tpu.vector_store %arg8[%parallel_loop3A_284, %parallel_loop3A_285], %parallel_loop3A_235 {strides = array<i32>} : memref<16x1024xf32, #tpu.memory_space<vmem>>, vector<16xf32>,
          %parallel_loop3A_287 = arith.constant 3 : i32
          %parallel_loop3A_288 = arith.index_cast %parallel_loop3A_287 : i32 to index
          %parallel_loop3A_289 = arith.index_cast %parallel_loop3A_223 : i32 to index
          %parallel_loop3A_290 = tpu.vector_load %arg8[%parallel_loop3A_288, %parallel_loop3A_289] {strides = array<i32>} : memref<16x1024xf32, #tpu.memory_space<vmem>>, vector<16xf32>,
          tpu.vector_store %arg8[%parallel_loop3A_288, %parallel_loop3A_289], %parallel_loop3A_238 {strides = array<i32>} : memref<16x1024xf32, #tpu.memory_space<vmem>>, vector<16xf32>,
          %parallel_loop3A_291 = arith.constant 4 : i32
          %parallel_loop3A_292 = arith.index_cast %parallel_loop3A_291 : i32 to index
          %parallel_loop3A_293 = arith.index_cast %parallel_loop3A_223 : i32 to index
          %parallel_loop3A_294 = tpu.vector_load %arg8[%parallel_loop3A_292, %parallel_loop3A_293] {strides = array<i32>} : memref<16x1024xf32, #tpu.memory_space<vmem>>, vector<16xf32>,
          tpu.vector_store %arg8[%parallel_loop3A_292, %parallel_loop3A_293], %parallel_loop3A_241 {strides = array<i32>} : memref<16x1024xf32, #tpu.memory_space<vmem>>, vector<16xf32>,
          %parallel_loop3A_295 = arith.constant 5 : i32
          %parallel_loop3A_296 = arith.index_cast %parallel_loop3A_295 : i32 to index
          %parallel_loop3A_297 = arith.index_cast %parallel_loop3A_223 : i32 to index
          %parallel_loop3A_298 = tpu.vector_load %arg8[%parallel_loop3A_296, %parallel_loop3A_297] {strides = array<i32>} : memref<16x1024xf32, #tpu.memory_space<vmem>>, vector<16xf32>,
          tpu.vector_store %arg8[%parallel_loop3A_296, %parallel_loop3A_297], %parallel_loop3A_244 {strides = array<i32>} : memref<16x1024xf32, #tpu.memory_space<vmem>>, vector<16xf32>,
          %parallel_loop3A_299 = arith.constant 6 : i32
          %parallel_loop3A_300 = arith.index_cast %parallel_loop3A_299 : i32 to index
          %parallel_loop3A_301 = arith.index_cast %parallel_loop3A_223 : i32 to index
          %parallel_loop3A_302 = tpu.vector_load %arg8[%parallel_loop3A_300, %parallel_loop3A_301] {strides = array<i32>} : memref<16x1024xf32, #tpu.memory_space<vmem>>, vector<16xf32>,
          tpu.vector_store %arg8[%parallel_loop3A_300, %parallel_loop3A_301], %parallel_loop3A_247 {strides = array<i32>} : memref<16x1024xf32, #tpu.memory_space<vmem>>, vector<16xf32>,
          %parallel_loop3A_303 = arith.constant 7 : i32
          %parallel_loop3A_304 = arith.index_cast %parallel_loop3A_303 : i32 to index
          %parallel_loop3A_305 = arith.index_cast %parallel_loop3A_223 : i32 to index
          %parallel_loop3A_306 = tpu.vector_load %arg8[%parallel_loop3A_304, %parallel_loop3A_305] {strides = array<i32>} : memref<16x1024xf32, #tpu.memory_space<vmem>>, vector<16xf32>,
          tpu.vector_store %arg8[%parallel_loop3A_304, %parallel_loop3A_305], %parallel_loop3A_250 {strides = array<i32>} : memref<16x1024xf32, #tpu.memory_space<vmem>>, vector<16xf32>,
          %parallel_loop3A_307 = arith.constant 8 : i32
          %parallel_loop3A_308 = arith.index_cast %parallel_loop3A_307 : i32 to index
          %parallel_loop3A_309 = arith.index_cast %parallel_loop3A_223 : i32 to index
          %parallel_loop3A_310 = tpu.vector_load %arg8[%parallel_loop3A_308, %parallel_loop3A_309] {strides = array<i32>} : memref<16x1024xf32, #tpu.memory_space<vmem>>, vector<16xf32>,
          tpu.vector_store %arg8[%parallel_loop3A_308, %parallel_loop3A_309], %parallel_loop3A_253 {strides = array<i32>} : memref<16x1024xf32, #tpu.memory_space<vmem>>, vector<16xf32>,
          %parallel_loop3A_311 = arith.constant 9 : i32
          %parallel_loop3A_312 = arith.index_cast %parallel_loop3A_311 : i32 to index
          %parallel_loop3A_313 = arith.index_cast %parallel_loop3A_223 : i32 to index
          %parallel_loop3A_314 = tpu.vector_load %arg8[%parallel_loop3A_312, %parallel_loop3A_313] {strides = array<i32>} : memref<16x1024xf32, #tpu.memory_space<vmem>>, vector<16xf32>,
          tpu.vector_store %arg8[%parallel_loop3A_312, %parallel_loop3A_313], %parallel_loop3A_256 {strides = array<i32>} : memref<16x1024xf32, #tpu.memory_space<vmem>>, vector<16xf32>,
          %parallel_loop3A_315 = arith.constant 10 : i32
          %parallel_loop3A_316 = arith.index_cast %parallel_loop3A_315 : i32 to index
          %parallel_loop3A_317 = arith.index_cast %parallel_loop3A_223 : i32 to index
          %parallel_loop3A_318 = tpu.vector_load %arg8[%parallel_loop3A_316, %parallel_loop3A_317] {strides = array<i32>} : memref<16x1024xf32, #tpu.memory_space<vmem>>, vector<16xf32>,
          tpu.vector_store %arg8[%parallel_loop3A_316, %parallel_loop3A_317], %parallel_loop3A_259 {strides = array<i32>} : memref<16x1024xf32, #tpu.memory_space<vmem>>, vector<16xf32>,
          %parallel_loop3A_319 = arith.constant 11 : i32
          %parallel_loop3A_320 = arith.index_cast %parallel_loop3A_319 : i32 to index
          %parallel_loop3A_321 = arith.index_cast %parallel_loop3A_223 : i32 to index
          %parallel_loop3A_322 = tpu.vector_load %arg8[%parallel_loop3A_320, %parallel_loop3A_321] {strides = array<i32>} : memref<16x1024xf32, #tpu.memory_space<vmem>>, vector<16xf32>,
          tpu.vector_store %arg8[%parallel_loop3A_320, %parallel_loop3A_321], %parallel_loop3A_262 {strides = array<i32>} : memref<16x1024xf32, #tpu.memory_space<vmem>>, vector<16xf32>,
          %parallel_loop3A_323 = arith.constant 12 : i32
          %parallel_loop3A_324 = arith.index_cast %parallel_loop3A_323 : i32 to index
          %parallel_loop3A_325 = arith.index_cast %parallel_loop3A_223 : i32 to index
          %parallel_loop3A_326 = tpu.vector_load %arg8[%parallel_loop3A_324, %parallel_loop3A_325] {strides = array<i32>} : memref<16x1024xf32, #tpu.memory_space<vmem>>, vector<16xf32>,
          tpu.vector_store %arg8[%parallel_loop3A_324, %parallel_loop3A_325], %parallel_loop3A_265 {strides = array<i32>} : memref<16x1024xf32, #tpu.memory_space<vmem>>, vector<16xf32>,
          %parallel_loop3A_327 = arith.constant 13 : i32
          %parallel_loop3A_328 = arith.index_cast %parallel_loop3A_327 : i32 to index
          %parallel_loop3A_329 = arith.index_cast %parallel_loop3A_223 : i32 to index
          %parallel_loop3A_330 = tpu.vector_load %arg8[%parallel_loop3A_328, %parallel_loop3A_329] {strides = array<i32>} : memref<16x1024xf32, #tpu.memory_space<vmem>>, vector<16xf32>,
          tpu.vector_store %arg8[%parallel_loop3A_328, %parallel_loop3A_329], %parallel_loop3A_268 {strides = array<i32>} : memref<16x1024xf32, #tpu.memory_space<vmem>>, vector<16xf32>,
          %parallel_loop3A_331 = arith.constant 14 : i32
          %parallel_loop3A_332 = arith.index_cast %parallel_loop3A_331 : i32 to index
          %parallel_loop3A_333 = arith.index_cast %parallel_loop3A_223 : i32 to index
          %parallel_loop3A_334 = tpu.vector_load %arg8[%parallel_loop3A_332, %parallel_loop3A_333] {strides = array<i32>} : memref<16x1024xf32, #tpu.memory_space<vmem>>, vector<16xf32>,
          tpu.vector_store %arg8[%parallel_loop3A_332, %parallel_loop3A_333], %parallel_loop3A_271 {strides = array<i32>} : memref<16x1024xf32, #tpu.memory_space<vmem>>, vector<16xf32>,
          %parallel_loop3A_335 = arith.constant 15 : i32
          %parallel_loop3A_336 = arith.index_cast %parallel_loop3A_335 : i32 to index
          %parallel_loop3A_337 = arith.index_cast %parallel_loop3A_223 : i32 to index
          %parallel_loop3A_338 = tpu.vector_load %arg8[%parallel_loop3A_336, %parallel_loop3A_337] {strides = array<i32>} : memref<16x1024xf32, #tpu.memory_space<vmem>>, vector<16xf32>,
          tpu.vector_store %arg8[%parallel_loop3A_336, %parallel_loop3A_337], %parallel_loop3A_274 {strides = array<i32>} : memref<16x1024xf32, #tpu.memory_space<vmem>>, vector<16xf32>,
        } {sc.loop_unroll_factor = 2 : i64, sc.parallel_access}
        %mul3A_205 = arith.constant 16 : i32
        %mul3A_206 = arith.muli %add3A_51, %mul3A_205 : i32
        %multiple_of3A = tpu.assume_multiple %mul3A_206, 16 : i32
        %le3A = arith.constant 61 : i32
        %le3A_207 = arith.cmpi sle, %add3A_51, %le3A : i32
        %convert_element_type3A_208 = arith.extui %le3A_207 : i1 to i32
        %cond3A_209 = arith.constant 0 : i32
        %cond3A_210 = arith.cmpi ne, %convert_element_type3A_208, %cond3A_209 : i32
        scf.if %cond3A_210 {
          %dma_start3A = arith.constant 0 : i32
          %dma_start3A_220 = tpu.memref_slice %arg4[%select_n3A_65, %multiple_of3A, %dma_start3A] : memref<50x1000x1024xf32, #tpu.memory_space<hbm>> -> memref<1x16x1024xf32, #tpu.memory_space<hbm>>
          %dma_start3A_221 = tpu.memref_squeeze %dma_start3A_220 : memref<1x16x1024xf32, #tpu.memory_space<hbm>> -> memref<16x1024xf32, #tpu.memory_space<hbm>>
          %dma_start3A_222 = arith.constant 0 : i32
          %dma_start3A_223 = tpu.memref_slice %arg4[%select_n3A_65, %multiple_of3A, %dma_start3A_222] : memref<50x1000x1024xf32, #tpu.memory_space<hbm>> -> memref<1x16x1024xf32, #tpu.memory_space<hbm>>
          %dma_start3A_224 = tpu.memref_squeeze %dma_start3A_223 : memref<1x16x1024xf32, #tpu.memory_space<hbm>> -> memref<16x1024xf32, #tpu.memory_space<hbm>>
          tpu.enqueue_dma source(%arg8 : memref<16x1024xf32, #tpu.memory_space<vmem>>) target(%dma_start3A_224 : memref<16x1024xf32, #tpu.memory_space<hbm>>) target_semaphore(%arg11 : memref<!tpu.dma_semaphore, #tpu.memory_space<semaphore_mem>>)
        } else {
        }
        %eq3A_211 = arith.constant 62 : i32
        %eq3A_212 = arith.cmpi eq, %add3A_51, %eq3A_211 : i32
        %convert_element_type3A_213 = arith.extui %eq3A_212 : i1 to i32
        %cond3A_214 = arith.constant 0 : i32
        %cond3A_215 = arith.cmpi ne, %convert_element_type3A_213, %cond3A_214 : i32
        scf.if %cond3A_215 {
          %dma_start3A = arith.constant 0 : i32
          %dma_start3A_220 = arith.constant 0 : i32
          %dma_start3A_221 = tpu.memref_slice %arg8[%dma_start3A, %dma_start3A_220] : memref<16x1024xf32, #tpu.memory_space<vmem>> -> memref<8x1024xf32, #tpu.memory_space<vmem>>
          %dma_start3A_222 = arith.constant 0 : i32
          %dma_start3A_223 = tpu.memref_slice %arg4[%select_n3A_65, %multiple_of3A, %dma_start3A_222] : memref<50x1000x1024xf32, #tpu.memory_space<hbm>> -> memref<1x8x1024xf32, #tpu.memory_space<hbm>>
          %dma_start3A_224 = tpu.memref_squeeze %dma_start3A_223 : memref<1x8x1024xf32, #tpu.memory_space<hbm>> -> memref<8x1024xf32, #tpu.memory_space<hbm>>
          %dma_start3A_225 = arith.constant 0 : i32
          %dma_start3A_226 = tpu.memref_slice %arg4[%select_n3A_65, %multiple_of3A, %dma_start3A_225] : memref<50x1000x1024xf32, #tpu.memory_space<hbm>> -> memref<1x8x1024xf32, #tpu.memory_space<hbm>>
          %dma_start3A_227 = tpu.memref_squeeze %dma_start3A_226 : memref<1x8x1024xf32, #tpu.memory_space<hbm>> -> memref<8x1024xf32, #tpu.memory_space<hbm>>
          %dma_start3A_228 = arith.constant 0 : i32
          %dma_start3A_229 = arith.constant 0 : i32
          %dma_start3A_230 = tpu.memref_slice %arg8[%dma_start3A_228, %dma_start3A_229] : memref<16x1024xf32, #tpu.memory_space<vmem>> -> memref<8x1024xf32, #tpu.memory_space<vmem>>
          tpu.enqueue_dma source(%dma_start3A_230 : memref<8x1024xf32, #tpu.memory_space<vmem>>) target(%dma_start3A_227 : memref<8x1024xf32, #tpu.memory_space<hbm>>) target_semaphore(%arg11 : memref<!tpu.dma_semaphore, #tpu.memory_space<semaphore_mem>>)
          %dma_start3A_231 = arith.constant 8 : i32
          %dma_start3A_232 = arith.constant 0 : i32
          %dma_start3A_233 = tpu.memref_slice %arg8[%dma_start3A_231, %dma_start3A_232] : memref<16x1024xf32, #tpu.memory_space<vmem>> -> memref<8x1024xf32, #tpu.memory_space<vmem>>
          %dma_start3A_234 = arith.constant 0 : i32
          %dma_start3A_235 = arith.constant 0 : i32
          %dma_start3A_236 = tpu.memref_slice %arg5[%dma_start3A_234, %dma_start3A_235] : memref<16x1024xf32, #tpu.memory_space<hbm>> -> memref<8x1024xf32, #tpu.memory_space<hbm>>
          %dma_start3A_237 = arith.constant 0 : i32
          %dma_start3A_238 = arith.constant 0 : i32
          %dma_start3A_239 = tpu.memref_slice %arg5[%dma_start3A_237, %dma_start3A_238] : memref<16x1024xf32, #tpu.memory_space<hbm>> -> memref<8x1024xf32, #tpu.memory_space<hbm>>
          %dma_start3A_240 = arith.constant 8 : i32
          %dma_start3A_241 = arith.constant 0 : i32
          %dma_start3A_242 = tpu.memref_slice %arg8[%dma_start3A_240, %dma_start3A_241] : memref<16x1024xf32, #tpu.memory_space<vmem>> -> memref<8x1024xf32, #tpu.memory_space<vmem>>
          tpu.enqueue_dma source(%dma_start3A_242 : memref<8x1024xf32, #tpu.memory_space<vmem>>) target(%dma_start3A_239 : memref<8x1024xf32, #tpu.memory_space<hbm>>) target_semaphore(%arg11 : memref<!tpu.dma_semaphore, #tpu.memory_space<semaphore_mem>>)
        } else {
        }
        %gt3A = arith.constant 62 : i32
        %gt3A_216 = arith.cmpi sgt, %add3A_51, %gt3A : i32
        %convert_element_type3A_217 = arith.extui %gt3A_216 : i1 to i32
        %cond3A_218 = arith.constant 0 : i32
        %cond3A_219 = arith.cmpi ne, %convert_element_type3A_217, %cond3A_218 : i32
        scf.if %cond3A_219 {
          tpu.enqueue_dma source(%arg8 : memref<16x1024xf32, #tpu.memory_space<vmem>>) target(%arg5 : memref<16x1024xf32, #tpu.memory_space<hbm>>) target_semaphore(%arg11 : memref<!tpu.dma_semaphore, #tpu.memory_space<semaphore_mem>>)
        } else {
        }
      } else {
      }
      %jit3A_161 = arith.constant 3 : i32
      %eq3A_162 = arith.constant 0 : i32
      %eq3A_163 = arith.cmpi eq, %jit3A_161, %eq3A_162 : i32
      %jit3A_164 = arith.constant 1 : i32
      %select_n3A_165 = arith.select %eq3A_163, %jit3A_164, %jit3A_161 : i32
      %rem3A_166 = arith.remsi %scan3A_32, %select_n3A_165 : i32
      %ne3A_167 = arith.constant 0 : i32
      %ne3A_168 = arith.cmpi ne, %rem3A_166, %ne3A_167 : i32
      %lt3A_169 = arith.constant 0 : i32
      %lt3A_170 = arith.cmpi slt, %rem3A_166, %lt3A_169 : i32
      %lt3A_171 = arith.constant 0 : i32
      %lt3A_172 = arith.cmpi slt, %select_n3A_165, %lt3A_171 : i32
      %ne3A_173 = arith.xori %lt3A_170, %lt3A_172 : i1
      %and3A_174 = arith.andi %ne3A_173, %ne3A_168 : i1
      %add3A_175 = arith.addi %rem3A_166, %select_n3A_165 : i32
      %select_n3A_176 = arith.select %and3A_174, %add3A_175, %rem3A_166 : i32
      %eq3A_177 = arith.constant 1 : i32
      %eq3A_178 = arith.cmpi eq, %select_n3A_176, %eq3A_177 : i32
      %convert_element_type3A_179 = arith.extui %eq3A_178 : i1 to i32
      %cond3A_180 = arith.constant 0 : i32
      %cond3A_181 = arith.cmpi ne, %convert_element_type3A_179, %cond3A_180 : i32
      scf.if %cond3A_181 {
        %parallel_loop3A = arith.constant 0 : i32
        %parallel_loop3A_203 = arith.constant 64 : i32
        %parallel_loop3A_204 = arith.constant 1 : i32
        scf.for %parallel_loop3A_220 = %parallel_loop3A to %parallel_loop3A_203 step %parallel_loop3A_204  : i32 {
          %parallel_loop3A_221 = arith.constant 16 : i32
          %parallel_loop3A_222 = arith.muli %parallel_loop3A_220, %parallel_loop3A_221 : i32
          %parallel_loop3A_223 = tpu.assume_multiple %parallel_loop3A_222, 16 : i32
          %parallel_loop3A_224 = arith.index_cast %select_n3A_65 : i32 to index
          %parallel_loop3A_225 = arith.index_cast %parallel_loop3A_223 : i32 to index
          %parallel_loop3A_226 = tpu.vector_load %arg6[%parallel_loop3A_224, %parallel_loop3A_225] {strides = array<i32>} : memref<50x1024xi32, #tpu.memory_space<vmem>>, vector<16xi32>,
          %parallel_loop3A_227 = arith.constant 0 : i32
          %parallel_loop3A_228 = tpu.memref_slice %arg7[%parallel_loop3A_227] : memref<16000xf32, #tpu.memory_space<vmem>> -> memref<1000xf32, #tpu.memory_space<vmem>>
          %parallel_loop3A_229 = tpu.vector_load_idx %parallel_loop3A_228[%parallel_loop3A_226] : memref<1000xf32, #tpu.memory_space<vmem>>[vector<16xi32>], vector<16xf32>,
          %parallel_loop3A_230 = arith.constant 1000 : i32
          %parallel_loop3A_231 = tpu.memref_slice %arg7[%parallel_loop3A_230] : memref<16000xf32, #tpu.memory_space<vmem>> -> memref<1000xf32, #tpu.memory_space<vmem>>
          %parallel_loop3A_232 = tpu.vector_load_idx %parallel_loop3A_231[%parallel_loop3A_226] : memref<1000xf32, #tpu.memory_space<vmem>>[vector<16xi32>], vector<16xf32>,
          %parallel_loop3A_233 = arith.constant 2000 : i32
          %parallel_loop3A_234 = tpu.memref_slice %arg7[%parallel_loop3A_233] : memref<16000xf32, #tpu.memory_space<vmem>> -> memref<1000xf32, #tpu.memory_space<vmem>>
          %parallel_loop3A_235 = tpu.vector_load_idx %parallel_loop3A_234[%parallel_loop3A_226] : memref<1000xf32, #tpu.memory_space<vmem>>[vector<16xi32>], vector<16xf32>,
          %parallel_loop3A_236 = arith.constant 3000 : i32
          %parallel_loop3A_237 = tpu.memref_slice %arg7[%parallel_loop3A_236] : memref<16000xf32, #tpu.memory_space<vmem>> -> memref<1000xf32, #tpu.memory_space<vmem>>
          %parallel_loop3A_238 = tpu.vector_load_idx %parallel_loop3A_237[%parallel_loop3A_226] : memref<1000xf32, #tpu.memory_space<vmem>>[vector<16xi32>], vector<16xf32>,
          %parallel_loop3A_239 = arith.constant 4000 : i32
          %parallel_loop3A_240 = tpu.memref_slice %arg7[%parallel_loop3A_239] : memref<16000xf32, #tpu.memory_space<vmem>> -> memref<1000xf32, #tpu.memory_space<vmem>>
          %parallel_loop3A_241 = tpu.vector_load_idx %parallel_loop3A_240[%parallel_loop3A_226] : memref<1000xf32, #tpu.memory_space<vmem>>[vector<16xi32>], vector<16xf32>,
          %parallel_loop3A_242 = arith.constant 5000 : i32
          %parallel_loop3A_243 = tpu.memref_slice %arg7[%parallel_loop3A_242] : memref<16000xf32, #tpu.memory_space<vmem>> -> memref<1000xf32, #tpu.memory_space<vmem>>
          %parallel_loop3A_244 = tpu.vector_load_idx %parallel_loop3A_243[%parallel_loop3A_226] : memref<1000xf32, #tpu.memory_space<vmem>>[vector<16xi32>], vector<16xf32>,
          %parallel_loop3A_245 = arith.constant 6000 : i32
          %parallel_loop3A_246 = tpu.memref_slice %arg7[%parallel_loop3A_245] : memref<16000xf32, #tpu.memory_space<vmem>> -> memref<1000xf32, #tpu.memory_space<vmem>>
          %parallel_loop3A_247 = tpu.vector_load_idx %parallel_loop3A_246[%parallel_loop3A_226] : memref<1000xf32, #tpu.memory_space<vmem>>[vector<16xi32>], vector<16xf32>,
          %parallel_loop3A_248 = arith.constant 7000 : i32
          %parallel_loop3A_249 = tpu.memref_slice %arg7[%parallel_loop3A_248] : memref<16000xf32, #tpu.memory_space<vmem>> -> memref<1000xf32, #tpu.memory_space<vmem>>
          %parallel_loop3A_250 = tpu.vector_load_idx %parallel_loop3A_249[%parallel_loop3A_226] : memref<1000xf32, #tpu.memory_space<vmem>>[vector<16xi32>], vector<16xf32>,
          %parallel_loop3A_251 = arith.constant 8000 : i32
          %parallel_loop3A_252 = tpu.memref_slice %arg7[%parallel_loop3A_251] : memref<16000xf32, #tpu.memory_space<vmem>> -> memref<1000xf32, #tpu.memory_space<vmem>>
          %parallel_loop3A_253 = tpu.vector_load_idx %parallel_loop3A_252[%parallel_loop3A_226] : memref<1000xf32, #tpu.memory_space<vmem>>[vector<16xi32>], vector<16xf32>,
          %parallel_loop3A_254 = arith.constant 9000 : i32
          %parallel_loop3A_255 = tpu.memref_slice %arg7[%parallel_loop3A_254] : memref<16000xf32, #tpu.memory_space<vmem>> -> memref<1000xf32, #tpu.memory_space<vmem>>
          %parallel_loop3A_256 = tpu.vector_load_idx %parallel_loop3A_255[%parallel_loop3A_226] : memref<1000xf32, #tpu.memory_space<vmem>>[vector<16xi32>], vector<16xf32>,
          %parallel_loop3A_257 = arith.constant 10000 : i32
          %parallel_loop3A_258 = tpu.memref_slice %arg7[%parallel_loop3A_257] : memref<16000xf32, #tpu.memory_space<vmem>> -> memref<1000xf32, #tpu.memory_space<vmem>>
          %parallel_loop3A_259 = tpu.vector_load_idx %parallel_loop3A_258[%parallel_loop3A_226] : memref<1000xf32, #tpu.memory_space<vmem>>[vector<16xi32>], vector<16xf32>,
          %parallel_loop3A_260 = arith.constant 11000 : i32
          %parallel_loop3A_261 = tpu.memref_slice %arg7[%parallel_loop3A_260] : memref<16000xf32, #tpu.memory_space<vmem>> -> memref<1000xf32, #tpu.memory_space<vmem>>
          %parallel_loop3A_262 = tpu.vector_load_idx %parallel_loop3A_261[%parallel_loop3A_226] : memref<1000xf32, #tpu.memory_space<vmem>>[vector<16xi32>], vector<16xf32>,
          %parallel_loop3A_263 = arith.constant 12000 : i32
          %parallel_loop3A_264 = tpu.memref_slice %arg7[%parallel_loop3A_263] : memref<16000xf32, #tpu.memory_space<vmem>> -> memref<1000xf32, #tpu.memory_space<vmem>>
          %parallel_loop3A_265 = tpu.vector_load_idx %parallel_loop3A_264[%parallel_loop3A_226] : memref<1000xf32, #tpu.memory_space<vmem>>[vector<16xi32>], vector<16xf32>,
          %parallel_loop3A_266 = arith.constant 13000 : i32
          %parallel_loop3A_267 = tpu.memref_slice %arg7[%parallel_loop3A_266] : memref<16000xf32, #tpu.memory_space<vmem>> -> memref<1000xf32, #tpu.memory_space<vmem>>
          %parallel_loop3A_268 = tpu.vector_load_idx %parallel_loop3A_267[%parallel_loop3A_226] : memref<1000xf32, #tpu.memory_space<vmem>>[vector<16xi32>], vector<16xf32>,
          %parallel_loop3A_269 = arith.constant 14000 : i32
          %parallel_loop3A_270 = tpu.memref_slice %arg7[%parallel_loop3A_269] : memref<16000xf32, #tpu.memory_space<vmem>> -> memref<1000xf32, #tpu.memory_space<vmem>>
          %parallel_loop3A_271 = tpu.vector_load_idx %parallel_loop3A_270[%parallel_loop3A_226] : memref<1000xf32, #tpu.memory_space<vmem>>[vector<16xi32>], vector<16xf32>,
          %parallel_loop3A_272 = arith.constant 15000 : i32
          %parallel_loop3A_273 = tpu.memref_slice %arg7[%parallel_loop3A_272] : memref<16000xf32, #tpu.memory_space<vmem>> -> memref<1000xf32, #tpu.memory_space<vmem>>
          %parallel_loop3A_274 = tpu.vector_load_idx %parallel_loop3A_273[%parallel_loop3A_226] : memref<1000xf32, #tpu.memory_space<vmem>>[vector<16xi32>], vector<16xf32>,
          %parallel_loop3A_275 = arith.constant 0 : i32
          %parallel_loop3A_276 = arith.index_cast %parallel_loop3A_275 : i32 to index
          %parallel_loop3A_277 = arith.index_cast %parallel_loop3A_223 : i32 to index
          %parallel_loop3A_278 = tpu.vector_load %arg9[%parallel_loop3A_276, %parallel_loop3A_277] {strides = array<i32>} : memref<16x1024xf32, #tpu.memory_space<vmem>>, vector<16xf32>,
          tpu.vector_store %arg9[%parallel_loop3A_276, %parallel_loop3A_277], %parallel_loop3A_229 {strides = array<i32>} : memref<16x1024xf32, #tpu.memory_space<vmem>>, vector<16xf32>,
          %parallel_loop3A_279 = arith.constant 1 : i32
          %parallel_loop3A_280 = arith.index_cast %parallel_loop3A_279 : i32 to index
          %parallel_loop3A_281 = arith.index_cast %parallel_loop3A_223 : i32 to index
          %parallel_loop3A_282 = tpu.vector_load %arg9[%parallel_loop3A_280, %parallel_loop3A_281] {strides = array<i32>} : memref<16x1024xf32, #tpu.memory_space<vmem>>, vector<16xf32>,
          tpu.vector_store %arg9[%parallel_loop3A_280, %parallel_loop3A_281], %parallel_loop3A_232 {strides = array<i32>} : memref<16x1024xf32, #tpu.memory_space<vmem>>, vector<16xf32>,
          %parallel_loop3A_283 = arith.constant 2 : i32
          %parallel_loop3A_284 = arith.index_cast %parallel_loop3A_283 : i32 to index
          %parallel_loop3A_285 = arith.index_cast %parallel_loop3A_223 : i32 to index
          %parallel_loop3A_286 = tpu.vector_load %arg9[%parallel_loop3A_284, %parallel_loop3A_285] {strides = array<i32>} : memref<16x1024xf32, #tpu.memory_space<vmem>>, vector<16xf32>,
          tpu.vector_store %arg9[%parallel_loop3A_284, %parallel_loop3A_285], %parallel_loop3A_235 {strides = array<i32>} : memref<16x1024xf32, #tpu.memory_space<vmem>>, vector<16xf32>,
          %parallel_loop3A_287 = arith.constant 3 : i32
          %parallel_loop3A_288 = arith.index_cast %parallel_loop3A_287 : i32 to index
          %parallel_loop3A_289 = arith.index_cast %parallel_loop3A_223 : i32 to index
          %parallel_loop3A_290 = tpu.vector_load %arg9[%parallel_loop3A_288, %parallel_loop3A_289] {strides = array<i32>} : memref<16x1024xf32, #tpu.memory_space<vmem>>, vector<16xf32>,
          tpu.vector_store %arg9[%parallel_loop3A_288, %parallel_loop3A_289], %parallel_loop3A_238 {strides = array<i32>} : memref<16x1024xf32, #tpu.memory_space<vmem>>, vector<16xf32>,
          %parallel_loop3A_291 = arith.constant 4 : i32
          %parallel_loop3A_292 = arith.index_cast %parallel_loop3A_291 : i32 to index
          %parallel_loop3A_293 = arith.index_cast %parallel_loop3A_223 : i32 to index
          %parallel_loop3A_294 = tpu.vector_load %arg9[%parallel_loop3A_292, %parallel_loop3A_293] {strides = array<i32>} : memref<16x1024xf32, #tpu.memory_space<vmem>>, vector<16xf32>,
          tpu.vector_store %arg9[%parallel_loop3A_292, %parallel_loop3A_293], %parallel_loop3A_241 {strides = array<i32>} : memref<16x1024xf32, #tpu.memory_space<vmem>>, vector<16xf32>,
          %parallel_loop3A_295 = arith.constant 5 : i32
          %parallel_loop3A_296 = arith.index_cast %parallel_loop3A_295 : i32 to index
          %parallel_loop3A_297 = arith.index_cast %parallel_loop3A_223 : i32 to index
          %parallel_loop3A_298 = tpu.vector_load %arg9[%parallel_loop3A_296, %parallel_loop3A_297] {strides = array<i32>} : memref<16x1024xf32, #tpu.memory_space<vmem>>, vector<16xf32>,
          tpu.vector_store %arg9[%parallel_loop3A_296, %parallel_loop3A_297], %parallel_loop3A_244 {strides = array<i32>} : memref<16x1024xf32, #tpu.memory_space<vmem>>, vector<16xf32>,
          %parallel_loop3A_299 = arith.constant 6 : i32
          %parallel_loop3A_300 = arith.index_cast %parallel_loop3A_299 : i32 to index
          %parallel_loop3A_301 = arith.index_cast %parallel_loop3A_223 : i32 to index
          %parallel_loop3A_302 = tpu.vector_load %arg9[%parallel_loop3A_300, %parallel_loop3A_301] {strides = array<i32>} : memref<16x1024xf32, #tpu.memory_space<vmem>>, vector<16xf32>,
          tpu.vector_store %arg9[%parallel_loop3A_300, %parallel_loop3A_301], %parallel_loop3A_247 {strides = array<i32>} : memref<16x1024xf32, #tpu.memory_space<vmem>>, vector<16xf32>,
          %parallel_loop3A_303 = arith.constant 7 : i32
          %parallel_loop3A_304 = arith.index_cast %parallel_loop3A_303 : i32 to index
          %parallel_loop3A_305 = arith.index_cast %parallel_loop3A_223 : i32 to index
          %parallel_loop3A_306 = tpu.vector_load %arg9[%parallel_loop3A_304, %parallel_loop3A_305] {strides = array<i32>} : memref<16x1024xf32, #tpu.memory_space<vmem>>, vector<16xf32>,
          tpu.vector_store %arg9[%parallel_loop3A_304, %parallel_loop3A_305], %parallel_loop3A_250 {strides = array<i32>} : memref<16x1024xf32, #tpu.memory_space<vmem>>, vector<16xf32>,
          %parallel_loop3A_307 = arith.constant 8 : i32
          %parallel_loop3A_308 = arith.index_cast %parallel_loop3A_307 : i32 to index
          %parallel_loop3A_309 = arith.index_cast %parallel_loop3A_223 : i32 to index
          %parallel_loop3A_310 = tpu.vector_load %arg9[%parallel_loop3A_308, %parallel_loop3A_309] {strides = array<i32>} : memref<16x1024xf32, #tpu.memory_space<vmem>>, vector<16xf32>,
          tpu.vector_store %arg9[%parallel_loop3A_308, %parallel_loop3A_309], %parallel_loop3A_253 {strides = array<i32>} : memref<16x1024xf32, #tpu.memory_space<vmem>>, vector<16xf32>,
          %parallel_loop3A_311 = arith.constant 9 : i32
          %parallel_loop3A_312 = arith.index_cast %parallel_loop3A_311 : i32 to index
          %parallel_loop3A_313 = arith.index_cast %parallel_loop3A_223 : i32 to index
          %parallel_loop3A_314 = tpu.vector_load %arg9[%parallel_loop3A_312, %parallel_loop3A_313] {strides = array<i32>} : memref<16x1024xf32, #tpu.memory_space<vmem>>, vector<16xf32>,
          tpu.vector_store %arg9[%parallel_loop3A_312, %parallel_loop3A_313], %parallel_loop3A_256 {strides = array<i32>} : memref<16x1024xf32, #tpu.memory_space<vmem>>, vector<16xf32>,
          %parallel_loop3A_315 = arith.constant 10 : i32
          %parallel_loop3A_316 = arith.index_cast %parallel_loop3A_315 : i32 to index
          %parallel_loop3A_317 = arith.index_cast %parallel_loop3A_223 : i32 to index
          %parallel_loop3A_318 = tpu.vector_load %arg9[%parallel_loop3A_316, %parallel_loop3A_317] {strides = array<i32>} : memref<16x1024xf32, #tpu.memory_space<vmem>>, vector<16xf32>,
          tpu.vector_store %arg9[%parallel_loop3A_316, %parallel_loop3A_317], %parallel_loop3A_259 {strides = array<i32>} : memref<16x1024xf32, #tpu.memory_space<vmem>>, vector<16xf32>,
          %parallel_loop3A_319 = arith.constant 11 : i32
          %parallel_loop3A_320 = arith.index_cast %parallel_loop3A_319 : i32 to index
          %parallel_loop3A_321 = arith.index_cast %parallel_loop3A_223 : i32 to index
          %parallel_loop3A_322 = tpu.vector_load %arg9[%parallel_loop3A_320, %parallel_loop3A_321] {strides = array<i32>} : memref<16x1024xf32, #tpu.memory_space<vmem>>, vector<16xf32>,
          tpu.vector_store %arg9[%parallel_loop3A_320, %parallel_loop3A_321], %parallel_loop3A_262 {strides = array<i32>} : memref<16x1024xf32, #tpu.memory_space<vmem>>, vector<16xf32>,
          %parallel_loop3A_323 = arith.constant 12 : i32
          %parallel_loop3A_324 = arith.index_cast %parallel_loop3A_323 : i32 to index
          %parallel_loop3A_325 = arith.index_cast %parallel_loop3A_223 : i32 to index
          %parallel_loop3A_326 = tpu.vector_load %arg9[%parallel_loop3A_324, %parallel_loop3A_325] {strides = array<i32>} : memref<16x1024xf32, #tpu.memory_space<vmem>>, vector<16xf32>,
          tpu.vector_store %arg9[%parallel_loop3A_324, %parallel_loop3A_325], %parallel_loop3A_265 {strides = array<i32>} : memref<16x1024xf32, #tpu.memory_space<vmem>>, vector<16xf32>,
          %parallel_loop3A_327 = arith.constant 13 : i32
          %parallel_loop3A_328 = arith.index_cast %parallel_loop3A_327 : i32 to index
          %parallel_loop3A_329 = arith.index_cast %parallel_loop3A_223 : i32 to index
          %parallel_loop3A_330 = tpu.vector_load %arg9[%parallel_loop3A_328, %parallel_loop3A_329] {strides = array<i32>} : memref<16x1024xf32, #tpu.memory_space<vmem>>, vector<16xf32>,
          tpu.vector_store %arg9[%parallel_loop3A_328, %parallel_loop3A_329], %parallel_loop3A_268 {strides = array<i32>} : memref<16x1024xf32, #tpu.memory_space<vmem>>, vector<16xf32>,
          %parallel_loop3A_331 = arith.constant 14 : i32
          %parallel_loop3A_332 = arith.index_cast %parallel_loop3A_331 : i32 to index
          %parallel_loop3A_333 = arith.index_cast %parallel_loop3A_223 : i32 to index
          %parallel_loop3A_334 = tpu.vector_load %arg9[%parallel_loop3A_332, %parallel_loop3A_333] {strides = array<i32>} : memref<16x1024xf32, #tpu.memory_space<vmem>>, vector<16xf32>,
          tpu.vector_store %arg9[%parallel_loop3A_332, %parallel_loop3A_333], %parallel_loop3A_271 {strides = array<i32>} : memref<16x1024xf32, #tpu.memory_space<vmem>>, vector<16xf32>,
          %parallel_loop3A_335 = arith.constant 15 : i32
          %parallel_loop3A_336 = arith.index_cast %parallel_loop3A_335 : i32 to index
          %parallel_loop3A_337 = arith.index_cast %parallel_loop3A_223 : i32 to index
          %parallel_loop3A_338 = tpu.vector_load %arg9[%parallel_loop3A_336, %parallel_loop3A_337] {strides = array<i32>} : memref<16x1024xf32, #tpu.memory_space<vmem>>, vector<16xf32>,
          tpu.vector_store %arg9[%parallel_loop3A_336, %parallel_loop3A_337], %parallel_loop3A_274 {strides = array<i32>} : memref<16x1024xf32, #tpu.memory_space<vmem>>, vector<16xf32>,
        } {sc.loop_unroll_factor = 2 : i64, sc.parallel_access}
        %mul3A_205 = arith.constant 16 : i32
        %mul3A_206 = arith.muli %add3A_51, %mul3A_205 : i32
        %multiple_of3A = tpu.assume_multiple %mul3A_206, 16 : i32
        %le3A = arith.constant 61 : i32
        %le3A_207 = arith.cmpi sle, %add3A_51, %le3A : i32
        %convert_element_type3A_208 = arith.extui %le3A_207 : i1 to i32
        %cond3A_209 = arith.constant 0 : i32
        %cond3A_210 = arith.cmpi ne, %convert_element_type3A_208, %cond3A_209 : i32
        scf.if %cond3A_210 {
          %dma_start3A = arith.constant 0 : i32
          %dma_start3A_220 = tpu.memref_slice %arg4[%select_n3A_65, %multiple_of3A, %dma_start3A] : memref<50x1000x1024xf32, #tpu.memory_space<hbm>> -> memref<1x16x1024xf32, #tpu.memory_space<hbm>>
          %dma_start3A_221 = tpu.memref_squeeze %dma_start3A_220 : memref<1x16x1024xf32, #tpu.memory_space<hbm>> -> memref<16x1024xf32, #tpu.memory_space<hbm>>
          %dma_start3A_222 = arith.constant 0 : i32
          %dma_start3A_223 = tpu.memref_slice %arg4[%select_n3A_65, %multiple_of3A, %dma_start3A_222] : memref<50x1000x1024xf32, #tpu.memory_space<hbm>> -> memref<1x16x1024xf32, #tpu.memory_space<hbm>>
          %dma_start3A_224 = tpu.memref_squeeze %dma_start3A_223 : memref<1x16x1024xf32, #tpu.memory_space<hbm>> -> memref<16x1024xf32, #tpu.memory_space<hbm>>
          tpu.enqueue_dma source(%arg9 : memref<16x1024xf32, #tpu.memory_space<vmem>>) target(%dma_start3A_224 : memref<16x1024xf32, #tpu.memory_space<hbm>>) target_semaphore(%arg12 : memref<!tpu.dma_semaphore, #tpu.memory_space<semaphore_mem>>)
        } else {
        }
        %eq3A_211 = arith.constant 62 : i32
        %eq3A_212 = arith.cmpi eq, %add3A_51, %eq3A_211 : i32
        %convert_element_type3A_213 = arith.extui %eq3A_212 : i1 to i32
        %cond3A_214 = arith.constant 0 : i32
        %cond3A_215 = arith.cmpi ne, %convert_element_type3A_213, %cond3A_214 : i32
        scf.if %cond3A_215 {
          %dma_start3A = arith.constant 0 : i32
          %dma_start3A_220 = arith.constant 0 : i32
          %dma_start3A_221 = tpu.memref_slice %arg9[%dma_start3A, %dma_start3A_220] : memref<16x1024xf32, #tpu.memory_space<vmem>> -> memref<8x1024xf32, #tpu.memory_space<vmem>>
          %dma_start3A_222 = arith.constant 0 : i32
          %dma_start3A_223 = tpu.memref_slice %arg4[%select_n3A_65, %multiple_of3A, %dma_start3A_222] : memref<50x1000x1024xf32, #tpu.memory_space<hbm>> -> memref<1x8x1024xf32, #tpu.memory_space<hbm>>
          %dma_start3A_224 = tpu.memref_squeeze %dma_start3A_223 : memref<1x8x1024xf32, #tpu.memory_space<hbm>> -> memref<8x1024xf32, #tpu.memory_space<hbm>>
          %dma_start3A_225 = arith.constant 0 : i32
          %dma_start3A_226 = tpu.memref_slice %arg4[%select_n3A_65, %multiple_of3A, %dma_start3A_225] : memref<50x1000x1024xf32, #tpu.memory_space<hbm>> -> memref<1x8x1024xf32, #tpu.memory_space<hbm>>
          %dma_start3A_227 = tpu.memref_squeeze %dma_start3A_226 : memref<1x8x1024xf32, #tpu.memory_space<hbm>> -> memref<8x1024xf32, #tpu.memory_space<hbm>>
          %dma_start3A_228 = arith.constant 0 : i32
          %dma_start3A_229 = arith.constant 0 : i32
          %dma_start3A_230 = tpu.memref_slice %arg9[%dma_start3A_228, %dma_start3A_229] : memref<16x1024xf32, #tpu.memory_space<vmem>> -> memref<8x1024xf32, #tpu.memory_space<vmem>>
          tpu.enqueue_dma source(%dma_start3A_230 : memref<8x1024xf32, #tpu.memory_space<vmem>>) target(%dma_start3A_227 : memref<8x1024xf32, #tpu.memory_space<hbm>>) target_semaphore(%arg12 : memref<!tpu.dma_semaphore, #tpu.memory_space<semaphore_mem>>)
          %dma_start3A_231 = arith.constant 8 : i32
          %dma_start3A_232 = arith.constant 0 : i32
          %dma_start3A_233 = tpu.memref_slice %arg9[%dma_start3A_231, %dma_start3A_232] : memref<16x1024xf32, #tpu.memory_space<vmem>> -> memref<8x1024xf32, #tpu.memory_space<vmem>>
          %dma_start3A_234 = arith.constant 0 : i32
          %dma_start3A_235 = arith.constant 0 : i32
          %dma_start3A_236 = tpu.memref_slice %arg5[%dma_start3A_234, %dma_start3A_235] : memref<16x1024xf32, #tpu.memory_space<hbm>> -> memref<8x1024xf32, #tpu.memory_space<hbm>>
          %dma_start3A_237 = arith.constant 0 : i32
          %dma_start3A_238 = arith.constant 0 : i32
          %dma_start3A_239 = tpu.memref_slice %arg5[%dma_start3A_237, %dma_start3A_238] : memref<16x1024xf32, #tpu.memory_space<hbm>> -> memref<8x1024xf32, #tpu.memory_space<hbm>>
          %dma_start3A_240 = arith.constant 8 : i32
          %dma_start3A_241 = arith.constant 0 : i32
          %dma_start3A_242 = tpu.memref_slice %arg9[%dma_start3A_240, %dma_start3A_241] : memref<16x1024xf32, #tpu.memory_space<vmem>> -> memref<8x1024xf32, #tpu.memory_space<vmem>>
          tpu.enqueue_dma source(%dma_start3A_242 : memref<8x1024xf32, #tpu.memory_space<vmem>>) target(%dma_start3A_239 : memref<8x1024xf32, #tpu.memory_space<hbm>>) target_semaphore(%arg12 : memref<!tpu.dma_semaphore, #tpu.memory_space<semaphore_mem>>)
        } else {
        }
        %gt3A = arith.constant 62 : i32
        %gt3A_216 = arith.cmpi sgt, %add3A_51, %gt3A : i32
        %convert_element_type3A_217 = arith.extui %gt3A_216 : i1 to i32
        %cond3A_218 = arith.constant 0 : i32
        %cond3A_219 = arith.cmpi ne, %convert_element_type3A_217, %cond3A_218 : i32
        scf.if %cond3A_219 {
          tpu.enqueue_dma source(%arg9 : memref<16x1024xf32, #tpu.memory_space<vmem>>) target(%arg5 : memref<16x1024xf32, #tpu.memory_space<hbm>>) target_semaphore(%arg12 : memref<!tpu.dma_semaphore, #tpu.memory_space<semaphore_mem>>)
        } else {
        }
      } else {
      }
      %jit3A_182 = arith.constant 3 : i32
      %eq3A_183 = arith.constant 0 : i32
      %eq3A_184 = arith.cmpi eq, %jit3A_182, %eq3A_183 : i32
      %jit3A_185 = arith.constant 1 : i32
      %select_n3A_186 = arith.select %eq3A_184, %jit3A_185, %jit3A_182 : i32
      %rem3A_187 = arith.remsi %scan3A_32, %select_n3A_186 : i32
      %ne3A_188 = arith.constant 0 : i32
      %ne3A_189 = arith.cmpi ne, %rem3A_187, %ne3A_188 : i32
      %lt3A_190 = arith.constant 0 : i32
      %lt3A_191 = arith.cmpi slt, %rem3A_187, %lt3A_190 : i32
      %lt3A_192 = arith.constant 0 : i32
      %lt3A_193 = arith.cmpi slt, %select_n3A_186, %lt3A_192 : i32
      %ne3A_194 = arith.xori %lt3A_191, %lt3A_193 : i1
      %and3A_195 = arith.andi %ne3A_194, %ne3A_189 : i1
      %add3A_196 = arith.addi %rem3A_187, %select_n3A_186 : i32
      %select_n3A_197 = arith.select %and3A_195, %add3A_196, %rem3A_187 : i32
      %eq3A_198 = arith.constant 2 : i32
      %eq3A_199 = arith.cmpi eq, %select_n3A_197, %eq3A_198 : i32
      %convert_element_type3A_200 = arith.extui %eq3A_199 : i1 to i32
      %cond3A_201 = arith.constant 0 : i32
      %cond3A_202 = arith.cmpi ne, %convert_element_type3A_200, %cond3A_201 : i32
      scf.if %cond3A_202 {
        %parallel_loop3A = arith.constant 0 : i32
        %parallel_loop3A_203 = arith.constant 64 : i32
        %parallel_loop3A_204 = arith.constant 1 : i32
        scf.for %parallel_loop3A_220 = %parallel_loop3A to %parallel_loop3A_203 step %parallel_loop3A_204  : i32 {
          %parallel_loop3A_221 = arith.constant 16 : i32
          %parallel_loop3A_222 = arith.muli %parallel_loop3A_220, %parallel_loop3A_221 : i32
          %parallel_loop3A_223 = tpu.assume_multiple %parallel_loop3A_222, 16 : i32
          %parallel_loop3A_224 = arith.index_cast %select_n3A_65 : i32 to index
          %parallel_loop3A_225 = arith.index_cast %parallel_loop3A_223 : i32 to index
          %parallel_loop3A_226 = tpu.vector_load %arg6[%parallel_loop3A_224, %parallel_loop3A_225] {strides = array<i32>} : memref<50x1024xi32, #tpu.memory_space<vmem>>, vector<16xi32>,
          %parallel_loop3A_227 = arith.constant 0 : i32
          %parallel_loop3A_228 = tpu.memref_slice %arg7[%parallel_loop3A_227] : memref<16000xf32, #tpu.memory_space<vmem>> -> memref<1000xf32, #tpu.memory_space<vmem>>
          %parallel_loop3A_229 = tpu.vector_load_idx %parallel_loop3A_228[%parallel_loop3A_226] : memref<1000xf32, #tpu.memory_space<vmem>>[vector<16xi32>], vector<16xf32>,
          %parallel_loop3A_230 = arith.constant 1000 : i32
          %parallel_loop3A_231 = tpu.memref_slice %arg7[%parallel_loop3A_230] : memref<16000xf32, #tpu.memory_space<vmem>> -> memref<1000xf32, #tpu.memory_space<vmem>>
          %parallel_loop3A_232 = tpu.vector_load_idx %parallel_loop3A_231[%parallel_loop3A_226] : memref<1000xf32, #tpu.memory_space<vmem>>[vector<16xi32>], vector<16xf32>,
          %parallel_loop3A_233 = arith.constant 2000 : i32
          %parallel_loop3A_234 = tpu.memref_slice %arg7[%parallel_loop3A_233] : memref<16000xf32, #tpu.memory_space<vmem>> -> memref<1000xf32, #tpu.memory_space<vmem>>
          %parallel_loop3A_235 = tpu.vector_load_idx %parallel_loop3A_234[%parallel_loop3A_226] : memref<1000xf32, #tpu.memory_space<vmem>>[vector<16xi32>], vector<16xf32>,
          %parallel_loop3A_236 = arith.constant 3000 : i32
          %parallel_loop3A_237 = tpu.memref_slice %arg7[%parallel_loop3A_236] : memref<16000xf32, #tpu.memory_space<vmem>> -> memref<1000xf32, #tpu.memory_space<vmem>>
          %parallel_loop3A_238 = tpu.vector_load_idx %parallel_loop3A_237[%parallel_loop3A_226] : memref<1000xf32, #tpu.memory_space<vmem>>[vector<16xi32>], vector<16xf32>,
          %parallel_loop3A_239 = arith.constant 4000 : i32
          %parallel_loop3A_240 = tpu.memref_slice %arg7[%parallel_loop3A_239] : memref<16000xf32, #tpu.memory_space<vmem>> -> memref<1000xf32, #tpu.memory_space<vmem>>
          %parallel_loop3A_241 = tpu.vector_load_idx %parallel_loop3A_240[%parallel_loop3A_226] : memref<1000xf32, #tpu.memory_space<vmem>>[vector<16xi32>], vector<16xf32>,
          %parallel_loop3A_242 = arith.constant 5000 : i32
          %parallel_loop3A_243 = tpu.memref_slice %arg7[%parallel_loop3A_242] : memref<16000xf32, #tpu.memory_space<vmem>> -> memref<1000xf32, #tpu.memory_space<vmem>>
          %parallel_loop3A_244 = tpu.vector_load_idx %parallel_loop3A_243[%parallel_loop3A_226] : memref<1000xf32, #tpu.memory_space<vmem>>[vector<16xi32>], vector<16xf32>,
          %parallel_loop3A_245 = arith.constant 6000 : i32
          %parallel_loop3A_246 = tpu.memref_slice %arg7[%parallel_loop3A_245] : memref<16000xf32, #tpu.memory_space<vmem>> -> memref<1000xf32, #tpu.memory_space<vmem>>
          %parallel_loop3A_247 = tpu.vector_load_idx %parallel_loop3A_246[%parallel_loop3A_226] : memref<1000xf32, #tpu.memory_space<vmem>>[vector<16xi32>], vector<16xf32>,
          %parallel_loop3A_248 = arith.constant 7000 : i32
          %parallel_loop3A_249 = tpu.memref_slice %arg7[%parallel_loop3A_248] : memref<16000xf32, #tpu.memory_space<vmem>> -> memref<1000xf32, #tpu.memory_space<vmem>>
          %parallel_loop3A_250 = tpu.vector_load_idx %parallel_loop3A_249[%parallel_loop3A_226] : memref<1000xf32, #tpu.memory_space<vmem>>[vector<16xi32>], vector<16xf32>,
          %parallel_loop3A_251 = arith.constant 8000 : i32
          %parallel_loop3A_252 = tpu.memref_slice %arg7[%parallel_loop3A_251] : memref<16000xf32, #tpu.memory_space<vmem>> -> memref<1000xf32, #tpu.memory_space<vmem>>
          %parallel_loop3A_253 = tpu.vector_load_idx %parallel_loop3A_252[%parallel_loop3A_226] : memref<1000xf32, #tpu.memory_space<vmem>>[vector<16xi32>], vector<16xf32>,
          %parallel_loop3A_254 = arith.constant 9000 : i32
          %parallel_loop3A_255 = tpu.memref_slice %arg7[%parallel_loop3A_254] : memref<16000xf32, #tpu.memory_space<vmem>> -> memref<1000xf32, #tpu.memory_space<vmem>>
          %parallel_loop3A_256 = tpu.vector_load_idx %parallel_loop3A_255[%parallel_loop3A_226] : memref<1000xf32, #tpu.memory_space<vmem>>[vector<16xi32>], vector<16xf32>,
          %parallel_loop3A_257 = arith.constant 10000 : i32
          %parallel_loop3A_258 = tpu.memref_slice %arg7[%parallel_loop3A_257] : memref<16000xf32, #tpu.memory_space<vmem>> -> memref<1000xf32, #tpu.memory_space<vmem>>
          %parallel_loop3A_259 = tpu.vector_load_idx %parallel_loop3A_258[%parallel_loop3A_226] : memref<1000xf32, #tpu.memory_space<vmem>>[vector<16xi32>], vector<16xf32>,
          %parallel_loop3A_260 = arith.constant 11000 : i32
          %parallel_loop3A_261 = tpu.memref_slice %arg7[%parallel_loop3A_260] : memref<16000xf32, #tpu.memory_space<vmem>> -> memref<1000xf32, #tpu.memory_space<vmem>>
          %parallel_loop3A_262 = tpu.vector_load_idx %parallel_loop3A_261[%parallel_loop3A_226] : memref<1000xf32, #tpu.memory_space<vmem>>[vector<16xi32>], vector<16xf32>,
          %parallel_loop3A_263 = arith.constant 12000 : i32
          %parallel_loop3A_264 = tpu.memref_slice %arg7[%parallel_loop3A_263] : memref<16000xf32, #tpu.memory_space<vmem>> -> memref<1000xf32, #tpu.memory_space<vmem>>
          %parallel_loop3A_265 = tpu.vector_load_idx %parallel_loop3A_264[%parallel_loop3A_226] : memref<1000xf32, #tpu.memory_space<vmem>>[vector<16xi32>], vector<16xf32>,
          %parallel_loop3A_266 = arith.constant 13000 : i32
          %parallel_loop3A_267 = tpu.memref_slice %arg7[%parallel_loop3A_266] : memref<16000xf32, #tpu.memory_space<vmem>> -> memref<1000xf32, #tpu.memory_space<vmem>>
          %parallel_loop3A_268 = tpu.vector_load_idx %parallel_loop3A_267[%parallel_loop3A_226] : memref<1000xf32, #tpu.memory_space<vmem>>[vector<16xi32>], vector<16xf32>,
          %parallel_loop3A_269 = arith.constant 14000 : i32
          %parallel_loop3A_270 = tpu.memref_slice %arg7[%parallel_loop3A_269] : memref<16000xf32, #tpu.memory_space<vmem>> -> memref<1000xf32, #tpu.memory_space<vmem>>
          %parallel_loop3A_271 = tpu.vector_load_idx %parallel_loop3A_270[%parallel_loop3A_226] : memref<1000xf32, #tpu.memory_space<vmem>>[vector<16xi32>], vector<16xf32>,
          %parallel_loop3A_272 = arith.constant 15000 : i32
          %parallel_loop3A_273 = tpu.memref_slice %arg7[%parallel_loop3A_272] : memref<16000xf32, #tpu.memory_space<vmem>> -> memref<1000xf32, #tpu.memory_space<vmem>>
          %parallel_loop3A_274 = tpu.vector_load_idx %parallel_loop3A_273[%parallel_loop3A_226] : memref<1000xf32, #tpu.memory_space<vmem>>[vector<16xi32>], vector<16xf32>,
          %parallel_loop3A_275 = arith.constant 0 : i32
          %parallel_loop3A_276 = arith.index_cast %parallel_loop3A_275 : i32 to index
          %parallel_loop3A_277 = arith.index_cast %parallel_loop3A_223 : i32 to index
          %parallel_loop3A_278 = tpu.vector_load %arg10[%parallel_loop3A_276, %parallel_loop3A_277] {strides = array<i32>} : memref<16x1024xf32, #tpu.memory_space<vmem>>, vector<16xf32>,
          tpu.vector_store %arg10[%parallel_loop3A_276, %parallel_loop3A_277], %parallel_loop3A_229 {strides = array<i32>} : memref<16x1024xf32, #tpu.memory_space<vmem>>, vector<16xf32>,
          %parallel_loop3A_279 = arith.constant 1 : i32
          %parallel_loop3A_280 = arith.index_cast %parallel_loop3A_279 : i32 to index
          %parallel_loop3A_281 = arith.index_cast %parallel_loop3A_223 : i32 to index
          %parallel_loop3A_282 = tpu.vector_load %arg10[%parallel_loop3A_280, %parallel_loop3A_281] {strides = array<i32>} : memref<16x1024xf32, #tpu.memory_space<vmem>>, vector<16xf32>,
          tpu.vector_store %arg10[%parallel_loop3A_280, %parallel_loop3A_281], %parallel_loop3A_232 {strides = array<i32>} : memref<16x1024xf32, #tpu.memory_space<vmem>>, vector<16xf32>,
          %parallel_loop3A_283 = arith.constant 2 : i32
          %parallel_loop3A_284 = arith.index_cast %parallel_loop3A_283 : i32 to index
          %parallel_loop3A_285 = arith.index_cast %parallel_loop3A_223 : i32 to index
          %parallel_loop3A_286 = tpu.vector_load %arg10[%parallel_loop3A_284, %parallel_loop3A_285] {strides = array<i32>} : memref<16x1024xf32, #tpu.memory_space<vmem>>, vector<16xf32>,
          tpu.vector_store %arg10[%parallel_loop3A_284, %parallel_loop3A_285], %parallel_loop3A_235 {strides = array<i32>} : memref<16x1024xf32, #tpu.memory_space<vmem>>, vector<16xf32>,
          %parallel_loop3A_287 = arith.constant 3 : i32
          %parallel_loop3A_288 = arith.index_cast %parallel_loop3A_287 : i32 to index
          %parallel_loop3A_289 = arith.index_cast %parallel_loop3A_223 : i32 to index
          %parallel_loop3A_290 = tpu.vector_load %arg10[%parallel_loop3A_288, %parallel_loop3A_289] {strides = array<i32>} : memref<16x1024xf32, #tpu.memory_space<vmem>>, vector<16xf32>,
          tpu.vector_store %arg10[%parallel_loop3A_288, %parallel_loop3A_289], %parallel_loop3A_238 {strides = array<i32>} : memref<16x1024xf32, #tpu.memory_space<vmem>>, vector<16xf32>,
          %parallel_loop3A_291 = arith.constant 4 : i32
          %parallel_loop3A_292 = arith.index_cast %parallel_loop3A_291 : i32 to index
          %parallel_loop3A_293 = arith.index_cast %parallel_loop3A_223 : i32 to index
          %parallel_loop3A_294 = tpu.vector_load %arg10[%parallel_loop3A_292, %parallel_loop3A_293] {strides = array<i32>} : memref<16x1024xf32, #tpu.memory_space<vmem>>, vector<16xf32>,
          tpu.vector_store %arg10[%parallel_loop3A_292, %parallel_loop3A_293], %parallel_loop3A_241 {strides = array<i32>} : memref<16x1024xf32, #tpu.memory_space<vmem>>, vector<16xf32>,
          %parallel_loop3A_295 = arith.constant 5 : i32
          %parallel_loop3A_296 = arith.index_cast %parallel_loop3A_295 : i32 to index
          %parallel_loop3A_297 = arith.index_cast %parallel_loop3A_223 : i32 to index
          %parallel_loop3A_298 = tpu.vector_load %arg10[%parallel_loop3A_296, %parallel_loop3A_297] {strides = array<i32>} : memref<16x1024xf32, #tpu.memory_space<vmem>>, vector<16xf32>,
          tpu.vector_store %arg10[%parallel_loop3A_296, %parallel_loop3A_297], %parallel_loop3A_244 {strides = array<i32>} : memref<16x1024xf32, #tpu.memory_space<vmem>>, vector<16xf32>,
          %parallel_loop3A_299 = arith.constant 6 : i32
          %parallel_loop3A_300 = arith.index_cast %parallel_loop3A_299 : i32 to index
          %parallel_loop3A_301 = arith.index_cast %parallel_loop3A_223 : i32 to index
          %parallel_loop3A_302 = tpu.vector_load %arg10[%parallel_loop3A_300, %parallel_loop3A_301] {strides = array<i32>} : memref<16x1024xf32, #tpu.memory_space<vmem>>, vector<16xf32>,
          tpu.vector_store %arg10[%parallel_loop3A_300, %parallel_loop3A_301], %parallel_loop3A_247 {strides = array<i32>} : memref<16x1024xf32, #tpu.memory_space<vmem>>, vector<16xf32>,
          %parallel_loop3A_303 = arith.constant 7 : i32
          %parallel_loop3A_304 = arith.index_cast %parallel_loop3A_303 : i32 to index
          %parallel_loop3A_305 = arith.index_cast %parallel_loop3A_223 : i32 to index
          %parallel_loop3A_306 = tpu.vector_load %arg10[%parallel_loop3A_304, %parallel_loop3A_305] {strides = array<i32>} : memref<16x1024xf32, #tpu.memory_space<vmem>>, vector<16xf32>,
          tpu.vector_store %arg10[%parallel_loop3A_304, %parallel_loop3A_305], %parallel_loop3A_250 {strides = array<i32>} : memref<16x1024xf32, #tpu.memory_space<vmem>>, vector<16xf32>,
          %parallel_loop3A_307 = arith.constant 8 : i32
          %parallel_loop3A_308 = arith.index_cast %parallel_loop3A_307 : i32 to index
          %parallel_loop3A_309 = arith.index_cast %parallel_loop3A_223 : i32 to index
          %parallel_loop3A_310 = tpu.vector_load %arg10[%parallel_loop3A_308, %parallel_loop3A_309] {strides = array<i32>} : memref<16x1024xf32, #tpu.memory_space<vmem>>, vector<16xf32>,
          tpu.vector_store %arg10[%parallel_loop3A_308, %parallel_loop3A_309], %parallel_loop3A_253 {strides = array<i32>} : memref<16x1024xf32, #tpu.memory_space<vmem>>, vector<16xf32>,
          %parallel_loop3A_311 = arith.constant 9 : i32
          %parallel_loop3A_312 = arith.index_cast %parallel_loop3A_311 : i32 to index
          %parallel_loop3A_313 = arith.index_cast %parallel_loop3A_223 : i32 to index
          %parallel_loop3A_314 = tpu.vector_load %arg10[%parallel_loop3A_312, %parallel_loop3A_313] {strides = array<i32>} : memref<16x1024xf32, #tpu.memory_space<vmem>>, vector<16xf32>,
          tpu.vector_store %arg10[%parallel_loop3A_312, %parallel_loop3A_313], %parallel_loop3A_256 {strides = array<i32>} : memref<16x1024xf32, #tpu.memory_space<vmem>>, vector<16xf32>,
          %parallel_loop3A_315 = arith.constant 10 : i32
          %parallel_loop3A_316 = arith.index_cast %parallel_loop3A_315 : i32 to index
          %parallel_loop3A_317 = arith.index_cast %parallel_loop3A_223 : i32 to index
          %parallel_loop3A_318 = tpu.vector_load %arg10[%parallel_loop3A_316, %parallel_loop3A_317] {strides = array<i32>} : memref<16x1024xf32, #tpu.memory_space<vmem>>, vector<16xf32>,
          tpu.vector_store %arg10[%parallel_loop3A_316, %parallel_loop3A_317], %parallel_loop3A_259 {strides = array<i32>} : memref<16x1024xf32, #tpu.memory_space<vmem>>, vector<16xf32>,
          %parallel_loop3A_319 = arith.constant 11 : i32
          %parallel_loop3A_320 = arith.index_cast %parallel_loop3A_319 : i32 to index
          %parallel_loop3A_321 = arith.index_cast %parallel_loop3A_223 : i32 to index
          %parallel_loop3A_322 = tpu.vector_load %arg10[%parallel_loop3A_320, %parallel_loop3A_321] {strides = array<i32>} : memref<16x1024xf32, #tpu.memory_space<vmem>>, vector<16xf32>,
          tpu.vector_store %arg10[%parallel_loop3A_320, %parallel_loop3A_321], %parallel_loop3A_262 {strides = array<i32>} : memref<16x1024xf32, #tpu.memory_space<vmem>>, vector<16xf32>,
          %parallel_loop3A_323 = arith.constant 12 : i32
          %parallel_loop3A_324 = arith.index_cast %parallel_loop3A_323 : i32 to index
          %parallel_loop3A_325 = arith.index_cast %parallel_loop3A_223 : i32 to index
          %parallel_loop3A_326 = tpu.vector_load %arg10[%parallel_loop3A_324, %parallel_loop3A_325] {strides = array<i32>} : memref<16x1024xf32, #tpu.memory_space<vmem>>, vector<16xf32>,
          tpu.vector_store %arg10[%parallel_loop3A_324, %parallel_loop3A_325], %parallel_loop3A_265 {strides = array<i32>} : memref<16x1024xf32, #tpu.memory_space<vmem>>, vector<16xf32>,
          %parallel_loop3A_327 = arith.constant 13 : i32
          %parallel_loop3A_328 = arith.index_cast %parallel_loop3A_327 : i32 to index
          %parallel_loop3A_329 = arith.index_cast %parallel_loop3A_223 : i32 to index
          %parallel_loop3A_330 = tpu.vector_load %arg10[%parallel_loop3A_328, %parallel_loop3A_329] {strides = array<i32>} : memref<16x1024xf32, #tpu.memory_space<vmem>>, vector<16xf32>,
          tpu.vector_store %arg10[%parallel_loop3A_328, %parallel_loop3A_329], %parallel_loop3A_268 {strides = array<i32>} : memref<16x1024xf32, #tpu.memory_space<vmem>>, vector<16xf32>,
          %parallel_loop3A_331 = arith.constant 14 : i32
          %parallel_loop3A_332 = arith.index_cast %parallel_loop3A_331 : i32 to index
          %parallel_loop3A_333 = arith.index_cast %parallel_loop3A_223 : i32 to index
          %parallel_loop3A_334 = tpu.vector_load %arg10[%parallel_loop3A_332, %parallel_loop3A_333] {strides = array<i32>} : memref<16x1024xf32, #tpu.memory_space<vmem>>, vector<16xf32>,
          tpu.vector_store %arg10[%parallel_loop3A_332, %parallel_loop3A_333], %parallel_loop3A_271 {strides = array<i32>} : memref<16x1024xf32, #tpu.memory_space<vmem>>, vector<16xf32>,
          %parallel_loop3A_335 = arith.constant 15 : i32
          %parallel_loop3A_336 = arith.index_cast %parallel_loop3A_335 : i32 to index
          %parallel_loop3A_337 = arith.index_cast %parallel_loop3A_223 : i32 to index
          %parallel_loop3A_338 = tpu.vector_load %arg10[%parallel_loop3A_336, %parallel_loop3A_337] {strides = array<i32>} : memref<16x1024xf32, #tpu.memory_space<vmem>>, vector<16xf32>,
          tpu.vector_store %arg10[%parallel_loop3A_336, %parallel_loop3A_337], %parallel_loop3A_274 {strides = array<i32>} : memref<16x1024xf32, #tpu.memory_space<vmem>>, vector<16xf32>,
        } {sc.loop_unroll_factor = 2 : i64, sc.parallel_access}
        %mul3A_205 = arith.constant 16 : i32
        %mul3A_206 = arith.muli %add3A_51, %mul3A_205 : i32
        %multiple_of3A = tpu.assume_multiple %mul3A_206, 16 : i32
        %le3A = arith.constant 61 : i32
        %le3A_207 = arith.cmpi sle, %add3A_51, %le3A : i32
        %convert_element_type3A_208 = arith.extui %le3A_207 : i1 to i32
        %cond3A_209 = arith.constant 0 : i32
        %cond3A_210 = arith.cmpi ne, %convert_element_type3A_208, %cond3A_209 : i32
        scf.if %cond3A_210 {
          %dma_start3A = arith.constant 0 : i32
          %dma_start3A_220 = tpu.memref_slice %arg4[%select_n3A_65, %multiple_of3A, %dma_start3A] : memref<50x1000x1024xf32, #tpu.memory_space<hbm>> -> memref<1x16x1024xf32, #tpu.memory_space<hbm>>
          %dma_start3A_221 = tpu.memref_squeeze %dma_start3A_220 : memref<1x16x1024xf32, #tpu.memory_space<hbm>> -> memref<16x1024xf32, #tpu.memory_space<hbm>>
          %dma_start3A_222 = arith.constant 0 : i32
          %dma_start3A_223 = tpu.memref_slice %arg4[%select_n3A_65, %multiple_of3A, %dma_start3A_222] : memref<50x1000x1024xf32, #tpu.memory_space<hbm>> -> memref<1x16x1024xf32, #tpu.memory_space<hbm>>
          %dma_start3A_224 = tpu.memref_squeeze %dma_start3A_223 : memref<1x16x1024xf32, #tpu.memory_space<hbm>> -> memref<16x1024xf32, #tpu.memory_space<hbm>>
          tpu.enqueue_dma source(%arg10 : memref<16x1024xf32, #tpu.memory_space<vmem>>) target(%dma_start3A_224 : memref<16x1024xf32, #tpu.memory_space<hbm>>) target_semaphore(%arg13 : memref<!tpu.dma_semaphore, #tpu.memory_space<semaphore_mem>>)
        } else {
        }
        %eq3A_211 = arith.constant 62 : i32
        %eq3A_212 = arith.cmpi eq, %add3A_51, %eq3A_211 : i32
        %convert_element_type3A_213 = arith.extui %eq3A_212 : i1 to i32
        %cond3A_214 = arith.constant 0 : i32
        %cond3A_215 = arith.cmpi ne, %convert_element_type3A_213, %cond3A_214 : i32
        scf.if %cond3A_215 {
          %dma_start3A = arith.constant 0 : i32
          %dma_start3A_220 = arith.constant 0 : i32
          %dma_start3A_221 = tpu.memref_slice %arg10[%dma_start3A, %dma_start3A_220] : memref<16x1024xf32, #tpu.memory_space<vmem>> -> memref<8x1024xf32, #tpu.memory_space<vmem>>
          %dma_start3A_222 = arith.constant 0 : i32
          %dma_start3A_223 = tpu.memref_slice %arg4[%select_n3A_65, %multiple_of3A, %dma_start3A_222] : memref<50x1000x1024xf32, #tpu.memory_space<hbm>> -> memref<1x8x1024xf32, #tpu.memory_space<hbm>>
          %dma_start3A_224 = tpu.memref_squeeze %dma_start3A_223 : memref<1x8x1024xf32, #tpu.memory_space<hbm>> -> memref<8x1024xf32, #tpu.memory_space<hbm>>
          %dma_start3A_225 = arith.constant 0 : i32
          %dma_start3A_226 = tpu.memref_slice %arg4[%select_n3A_65, %multiple_of3A, %dma_start3A_225] : memref<50x1000x1024xf32, #tpu.memory_space<hbm>> -> memref<1x8x1024xf32, #tpu.memory_space<hbm>>
          %dma_start3A_227 = tpu.memref_squeeze %dma_start3A_226 : memref<1x8x1024xf32, #tpu.memory_space<hbm>> -> memref<8x1024xf32, #tpu.memory_space<hbm>>
          %dma_start3A_228 = arith.constant 0 : i32
          %dma_start3A_229 = arith.constant 0 : i32
          %dma_start3A_230 = tpu.memref_slice %arg10[%dma_start3A_228, %dma_start3A_229] : memref<16x1024xf32, #tpu.memory_space<vmem>> -> memref<8x1024xf32, #tpu.memory_space<vmem>>
          tpu.enqueue_dma source(%dma_start3A_230 : memref<8x1024xf32, #tpu.memory_space<vmem>>) target(%dma_start3A_227 : memref<8x1024xf32, #tpu.memory_space<hbm>>) target_semaphore(%arg13 : memref<!tpu.dma_semaphore, #tpu.memory_space<semaphore_mem>>)
          %dma_start3A_231 = arith.constant 8 : i32
          %dma_start3A_232 = arith.constant 0 : i32
          %dma_start3A_233 = tpu.memref_slice %arg10[%dma_start3A_231, %dma_start3A_232] : memref<16x1024xf32, #tpu.memory_space<vmem>> -> memref<8x1024xf32, #tpu.memory_space<vmem>>
          %dma_start3A_234 = arith.constant 0 : i32
          %dma_start3A_235 = arith.constant 0 : i32
          %dma_start3A_236 = tpu.memref_slice %arg5[%dma_start3A_234, %dma_start3A_235] : memref<16x1024xf32, #tpu.memory_space<hbm>> -> memref<8x1024xf32, #tpu.memory_space<hbm>>
          %dma_start3A_237 = arith.constant 0 : i32
          %dma_start3A_238 = arith.constant 0 : i32
          %dma_start3A_239 = tpu.memref_slice %arg5[%dma_start3A_237, %dma_start3A_238] : memref<16x1024xf32, #tpu.memory_space<hbm>> -> memref<8x1024xf32, #tpu.memory_space<hbm>>
          %dma_start3A_240 = arith.constant 8 : i32
          %dma_start3A_241 = arith.constant 0 : i32
          %dma_start3A_242 = tpu.memref_slice %arg10[%dma_start3A_240, %dma_start3A_241] : memref<16x1024xf32, #tpu.memory_space<vmem>> -> memref<8x1024xf32, #tpu.memory_space<vmem>>
          tpu.enqueue_dma source(%dma_start3A_242 : memref<8x1024xf32, #tpu.memory_space<vmem>>) target(%dma_start3A_239 : memref<8x1024xf32, #tpu.memory_space<hbm>>) target_semaphore(%arg13 : memref<!tpu.dma_semaphore, #tpu.memory_space<semaphore_mem>>)
        } else {
        }
        %gt3A = arith.constant 62 : i32
        %gt3A_216 = arith.cmpi sgt, %add3A_51, %gt3A : i32
        %convert_element_type3A_217 = arith.extui %gt3A_216 : i1 to i32
        %cond3A_218 = arith.constant 0 : i32
        %cond3A_219 = arith.cmpi ne, %convert_element_type3A_217, %cond3A_218 : i32
        scf.if %cond3A_219 {
          tpu.enqueue_dma source(%arg10 : memref<16x1024xf32, #tpu.memory_space<vmem>>) target(%arg5 : memref<16x1024xf32, #tpu.memory_space<hbm>>) target_semaphore(%arg13 : memref<!tpu.dma_semaphore, #tpu.memory_space<semaphore_mem>>)
        } else {
        }
      } else {
      }
    }
    %scan3A_5 = arith.constant 100 : i32
    %dma_wait3A = arith.constant 0 : i32
    %dma_wait3A_6 = arith.constant 0 : i32
    %dma_wait3A_7 = arith.constant 0 : i32
    %dma_wait3A_8 = tpu.memref_slice %arg4[%dma_wait3A, %dma_wait3A_6, %dma_wait3A_7] : memref<50x1000x1024xf32, #tpu.memory_space<hbm>> -> memref<1x16x1024xf32, #tpu.memory_space<hbm>>
    %dma_wait3A_9 = tpu.memref_squeeze %dma_wait3A_8 : memref<1x16x1024xf32, #tpu.memory_space<hbm>> -> memref<16x1024xf32, #tpu.memory_space<hbm>>
    %dma_wait3A_10 = arith.constant 0 : i32
    %dma_wait3A_11 = arith.constant 0 : i32
    %dma_wait3A_12 = tpu.memref_slice %arg4[%dma_wait3A, %dma_wait3A_10, %dma_wait3A_11] : memref<50x1000x1024xf32, #tpu.memory_space<hbm>> -> memref<1x16x1024xf32, #tpu.memory_space<hbm>>
    %dma_wait3A_13 = tpu.memref_squeeze %dma_wait3A_12 : memref<1x16x1024xf32, #tpu.memory_space<hbm>> -> memref<16x1024xf32, #tpu.memory_space<hbm>>
    tpu.wait_dma2 semaphore(%arg11 : memref<!tpu.dma_semaphore, #tpu.memory_space<semaphore_mem>>) src(%dma_wait3A_13 : memref<16x1024xf32, #tpu.memory_space<hbm>>) dst(%arg8 : memref<16x1024xf32, #tpu.memory_space<vmem>>)
    %dma_wait3A_14 = arith.constant 0 : i32
    %dma_wait3A_15 = arith.constant 0 : i32
    %dma_wait3A_16 = arith.constant 0 : i32
    %dma_wait3A_17 = tpu.memref_slice %arg4[%dma_wait3A_14, %dma_wait3A_15, %dma_wait3A_16] : memref<50x1000x1024xf32, #tpu.memory_space<hbm>> -> memref<1x16x1024xf32, #tpu.memory_space<hbm>>
    %dma_wait3A_18 = tpu.memref_squeeze %dma_wait3A_17 : memref<1x16x1024xf32, #tpu.memory_space<hbm>> -> memref<16x1024xf32, #tpu.memory_space<hbm>>
    %dma_wait3A_19 = arith.constant 0 : i32
    %dma_wait3A_20 = arith.constant 0 : i32
    %dma_wait3A_21 = tpu.memref_slice %arg4[%dma_wait3A_14, %dma_wait3A_19, %dma_wait3A_20] : memref<50x1000x1024xf32, #tpu.memory_space<hbm>> -> memref<1x16x1024xf32, #tpu.memory_space<hbm>>
    %dma_wait3A_22 = tpu.memref_squeeze %dma_wait3A_21 : memref<1x16x1024xf32, #tpu.memory_space<hbm>> -> memref<16x1024xf32, #tpu.memory_space<hbm>>
    tpu.wait_dma2 semaphore(%arg12 : memref<!tpu.dma_semaphore, #tpu.memory_space<semaphore_mem>>) src(%dma_wait3A_22 : memref<16x1024xf32, #tpu.memory_space<hbm>>) dst(%arg9 : memref<16x1024xf32, #tpu.memory_space<vmem>>)
    %dma_wait3A_23 = arith.constant 0 : i32
    %dma_wait3A_24 = arith.constant 0 : i32
    %dma_wait3A_25 = arith.constant 0 : i32
    %dma_wait3A_26 = tpu.memref_slice %arg4[%dma_wait3A_23, %dma_wait3A_24, %dma_wait3A_25] : memref<50x1000x1024xf32, #tpu.memory_space<hbm>> -> memref<1x16x1024xf32, #tpu.memory_space<hbm>>
    %dma_wait3A_27 = tpu.memref_squeeze %dma_wait3A_26 : memref<1x16x1024xf32, #tpu.memory_space<hbm>> -> memref<16x1024xf32, #tpu.memory_space<hbm>>
    %dma_wait3A_28 = arith.constant 0 : i32
    %dma_wait3A_29 = arith.constant 0 : i32
    %dma_wait3A_30 = tpu.memref_slice %arg4[%dma_wait3A_23, %dma_wait3A_28, %dma_wait3A_29] : memref<50x1000x1024xf32, #tpu.memory_space<hbm>> -> memref<1x16x1024xf32, #tpu.memory_space<hbm>>
    %dma_wait3A_31 = tpu.memref_squeeze %dma_wait3A_30 : memref<1x16x1024xf32, #tpu.memory_space<hbm>> -> memref<16x1024xf32, #tpu.memory_space<hbm>>
    tpu.wait_dma2 semaphore(%arg13 : memref<!tpu.dma_semaphore, #tpu.memory_space<semaphore_mem>>) src(%dma_wait3A_31 : memref<16x1024xf32, #tpu.memory_space<hbm>>) dst(%arg10 : memref<16x1024xf32, #tpu.memory_space<vmem>>)
    return
  }
}

module attributes {stable_mosaic.version = 14 : i64} {
  func.func @_table_body(%arg0: memref<1000x128xf32, #tpu.memory_space<vmem>>, %arg1: memref<1000x128xf32, #tpu.memory_space<vmem>>, %arg2: memref<1024x1000xf32, #tpu.memory_space<vmem>>) attributes {dimension_semantics = [], scalar_prefetch = 0 : i64, scratch_operands = 0 : i64, tpu.core_type = #tpu.core_type<tc>} {
    %get3A = arith.constant 0 : index
    %get3A_0 = arith.constant 0 : index
    %get3A_1 = vector.load %arg0[%get3A, %get3A_0] : memref<1000x128xf32, #tpu.memory_space<vmem>>, vector<1000x128xf32>
    %get3A_2 = arith.constant 0 : index
    %get3A_3 = arith.constant 0 : index
    %get3A_4 = vector.load %arg1[%get3A_2, %get3A_3] : memref<1000x128xf32, #tpu.memory_space<vmem>>, vector<1000x128xf32>
    %dot_general3A = arith.constant dense<0.000000e+00> : vector<1000x1000xf32>
    %dot_general3A_5 = tpu.matmul %get3A_1, %get3A_4, %dot_general3A {dimension_numbers = #tpu.dot_dimension_numbers<[1], [1], [0], [0], [0, 0, 1, 0], [], []>, transpose_lhs_hint = false} : vector<1000x128xf32>, vector<1000x128xf32>, vector<1000x1000xf32> -> vector<1000x1000xf32>
    %swap3A = arith.constant 0 : index
    %swap3A_6 = arith.constant 0 : index
    %swap3A_7 = vector.load %arg2[%swap3A, %swap3A_6] : memref<1024x1000xf32, #tpu.memory_space<vmem>>, vector<1000x1000xf32>
    tpu.vector_store %arg2[%swap3A, %swap3A_6], %dot_general3A_5 {strides = array<i32>} : memref<1024x1000xf32, #tpu.memory_space<vmem>>, vector<1000x1000xf32>,
    return
  }
}

</mosaic_0001>

<sc_bundles>
// kernel: kernel.4.cloned.1.call-start
scs
__scs_entry_jumppad:
0x0: {  	(pc) =	sbr.rel $0x88, $3  }
0x1: {  	(tag) =	ssettag $0x0;
	lr =	simm.s32 $0x1  }
0x2: {  	[smem:$0x3F9E] =	sst lr;
	_ =	strace $0xD0000000  }
0x3: {  	_ = 	snop  }
0x4: {  	_ = 	snop  }
0x5: {  	_ = 	snop  }
0x6: {  	_ = 	snop  }
0x7: {  	_ = 	snop  }
__scs_overlays_trampoline_lowered:
0x8: {  	[smem:$0x3FAD] =	sst s0  }
0x9: {  	[smem:$0x3FAE] =	sst s1  }
0xa: {  	[smem:$0x3FAF] =	sst s2  }
0xb: {  	[smem:$0x3FB0] =	sst s3  }
0xc: {  	[smem:$0x3FB1] =	sst s4  }
0xd: {  	[smem:$0x3FB2] =	sst s5  }
0xe: {  	[smem:$0x3FB3] =	sst s6  }
0xf: {  	[smem:$0x3FB4] =	sst s7  }
0x10: {  	[smem:$0x3FB5] =	sst s8  }
0x11: {  	[smem:$0x3FB6] =	sst s9;
	s0 =	simm.s32 @!p0 $0x0  }
0x12: {  	s1 =	sld [smem:$0x3F9C];
	s0 =	simm.s32 @p0 $0x1  }
0x13: {  	[smem:$0x3FB7] =	sst s0;
	s0 =	simm.s32 @!p1 $0x0  }
0x14: {  	s2 =	sld [smem:$0x3F9B];
	s0 =	simm.s32 @p1 $0x1  }
0x15: {  	[smem:$0x3FB8] =	sst s0;
	s0 =	simm.s32 @!p2 $0x0  }
0x16: {  	s3 =	sld [smem:$0x3FDB];
	s0 =	simm.s32 @p2 $0x1  }
0x17: {  	s4 =	simm.s32 $0x1BF5;
	[smem:$0x3FBA] =	sst s0  }
0x18: {  	s0 =	sld [smem:$0x3F9D];
	_ =	swait.ge [sflag:s4], $0x0  }
0x19: {  	s7 =	sld [smem:$0x3F9E]  }
0x1a: {  	s8 =	sadd.s32 $0xFFFFE003, lr  }
0x1b: {  	s9 =	sadd.s32 $0xFFFFFEF7, lr;
	s5 =	simm.s32 $0xFFFFFFFF;
	p2 =	slt.u32 s8, $0xFFFFF086  }
0x1c: {  	p1 =	slt.u32 s9, $0xF7A;
	s5 =	simm.s32 @!p2 $0x0  }
0x1d: {  	s5 =	simm.s32 @p1 $0x1;
	p0 =	seq.s32 s7, s2  }
0x1e: {  	s7 =	smul.u32 @!p0 $0xF7A, s2;
	p2 =	seq.s32 @!p0 s5, $0x0  }
0x1f: {  	s9 =	smul.u32 $0xF7A, s1;
	s8 =	simm.s32 @!p0 $0x1BF5;
	p2 =	por !p2, p0  }
0x20: {  	[sflag:s8] =	ssyncset.s32 @!p0 $0xFFFFF086;
	s6 =	sadd.s32 @!p0 s3, s7;
	s7 =	simm.s32 @!p0 $0x108  }
0x21: {  	s3 =	sadd.s32 s3, s9;
	s6 =	sadd.s32 @!p0 $0x88, s6;
	s7 =	simm.s32 @p2 $0x1082  }
0x22: {  	[simem:s7], [sflag:s8] =	dma.local @!p0 [hbm:s6], $0xF7A  }
0x23: {  	s9 =	sor.u32 $0xD0000000, s2;
	s6 =	simm.s32 $0x108;
	_ =	swait.ge @!p0 [sflag:s8], $0x0  }
0x24: {  	s3 =	sadd.s32 $0x88, s3;
	s6 =	simm.s32 @!p1 $0x1082;
	[sflag:s4] =	ssyncset.s32 $0xFFFFF086  }
0x25: {  	[simem:s6], [sflag:s4] =	dma.local [hbm:s3], $0xF7A  }
0x26: {  	[smem:$0x3F9E] =	sst s1;
	(tag) =	ssettag s2;
	_ =	strace s9  }
0x27: {  	s1 =	sld [smem:$0x3FAE]  }
0x28: {  	s2 =	sld [smem:$0x3FAF]  }
0x29: {  	s4 =	sld [smem:$0x3FB1]  }
0x2a: {  	p0 =	seq.s32 s5, $0x0;
	s5 =	sld [smem:$0x3FB2]  }
0x2b: {  	s6 =	sld [smem:$0x3FB3]  }
0x2c: {  	s7 =	sld [smem:$0x3FB4]  }
0x2d: {  	s3 =	simm.s32 $0x108;
	s8 =	sld [smem:$0x3FB5]  }
0x2e: {  	s3 =	simm.s32 @!p0 $0x1082;
	s9 =	sld [smem:$0x3FB6]  }
0x2f: {  	lr =	sadd.s32 s0, s3;
	s0 =	sld [smem:$0x3FAD]  }
0x30: {  	s3 =	sld [smem:$0x3FB0]  }
0x31: {  	[smem:$0x3FB9] =	sst s10  }
0x32: {  	s10 =	sld [smem:$0x3FB7];
	_ =	sdelay $0x3  }
0x33: {  	p0 =	seq.s32 s10, $0x1;
	s10 =	sld [smem:$0x3FB9];
	_ =	sdelay $0x3  }
0x34: {  	[smem:$0x3FB9] =	sst s10  }
0x35: {  	s10 =	sld [smem:$0x3FB8];
	_ =	sdelay $0x3  }
0x36: {  	p1 =	seq.s32 s10, $0x1;
	s10 =	sld [smem:$0x3FB9];
	_ =	sdelay $0x3  }
0x37: {  	[smem:$0x3FB9] =	sst s10  }
0x38: {  	s10 =	sld [smem:$0x3FBA]  }
0x39: {  	_ = 	snop;
	(pc) =	sbr.ind lr, $3  }
0x3a: {  	_ = 	snop  }
0x3b: {  	_ = 	snop  }
0x3c: {  	p2 =	seq.s32 s10, $0x1;
	s10 =	sld [smem:$0x3FB9]  }
0x3d: {  	_ =	shalt  }
0x3e: {  	_ =	shalt  }
0x3f: {  	_ =	shalt  }
0x40: {  	_ =	shalt  }
0x41: {  	_ =	shalt  }
0x42: {  	_ =	shalt  }
0x43: {  	_ =	shalt  }
0x44: {  	_ =	shalt  }
0x45: {  	_ =	shalt  }
0x46: {  	_ =	shalt  }
0x47: {  	_ =	shalt  }
0x48: {  	_ =	shalt  }
0x49: {  	_ =	shalt  }
0x4a: {  	_ =	shalt  }
0x4b: {  	_ =	shalt  }
0x4c: {  	_ =	shalt  }
0x4d: {  	_ =	shalt  }
0x4e: {  	_ =	shalt  }
0x4f: {  	_ =	shalt  }
0x50: {  	_ =	shalt  }
0x51: {  	_ =	shalt  }
0x52: {  	_ =	shalt  }
0x53: {  	_ =	shalt  }
0x54: {  	_ =	shalt  }
0x55: {  	_ =	shalt  }
0x56: {  	_ =	shalt  }
0x57: {  	_ =	shalt  }
0x58: {  	_ =	shalt  }
0x59: {  	_ =	shalt  }
0x5a: {  	_ =	shalt  }
0x5b: {  	_ =	shalt  }
0x5c: {  	_ =	shalt  }
0x5d: {  	_ =	shalt  }
0x5e: {  	_ =	shalt  }
0x5f: {  	_ =	shalt  }
0x60: {  	_ =	shalt  }
0x61: {  	_ =	shalt  }
0x62: {  	_ =	shalt  }
0x63: {  	_ =	shalt  }
0x64: {  	_ =	shalt  }
0x65: {  	_ =	shalt  }
0x66: {  	_ =	shalt  }
0x67: {  	_ =	shalt  }
0x68: {  	_ =	shalt  }
0x69: {  	_ =	shalt  }
0x6a: {  	_ =	shalt  }
0x6b: {  	_ =	shalt  }
0x6c: {  	_ =	shalt  }
0x6d: {  	_ =	shalt  }
0x6e: {  	_ =	shalt  }
0x6f: {  	_ =	shalt  }
0x70: {  	_ =	shalt  }
0x71: {  	_ =	shalt  }
0x72: {  	_ =	shalt  }
0x73: {  	_ =	shalt  }
0x74: {  	_ =	shalt  }
0x75: {  	_ =	shalt  }
0x76: {  	_ =	shalt  }
0x77: {  	_ =	shalt  }
0x78: {  	_ =	shalt  }
0x79: {  	_ =	shalt  }
0x7a: {  	_ =	shalt  }
0x7b: {  	_ =	shalt  }
0x7c: {  	_ =	shalt  }
0x7d: {  	_ =	shalt  }
0x7e: {  	_ =	shalt  }
0x7f: {  	_ =	shalt  }
0x80: {  	_ =	shalt  }
0x81: {  	_ =	shalt  }
0x82: {  	_ =	shalt  }
0x83: {  	_ =	shalt  }
0x84: {  	_ =	shalt  }
0x85: {  	_ =	shalt  }
0x86: {  	_ =	shalt  }
0x87: {  	_ =	shalt  }
.Lfunc_end0:
.L_simem_size_0:
called_computation_lowered:
.L_overlay_start_0:
0x88: {  	s2 =	sld [smem:$0x3FD9]  }
0x89: {  	s3 =	sld [smem:$0x3FFE];
	_ =	sdelay $0x1  }
0x8a: {  	s1 =	srdreg.scid  }
0x8b: {  	s0 =	sand.u32 $0x1, s1  }
0x8c: {  	s17 =	sshll.u32 s0, $0xA;
	s2 =	sadd.s32 s3, s2  }
0x8d: {  	s2 =	sadd.s32 s2, s17  }
0x8e: {  	[smem:$0x3FC5] =	sst s2  }
0x8f: {  	_ = 	snop  }
0x90: {  	s2 =	sld [smem:$0x3FC9]  }
0x91: {  	s18 =	sld [smem:$0x3FD0];
	(tm) =	ssettm $0x1  }
0x92: {  	s4 =	sld [smem:$0x3FFB];
	_ =	sdelay $0x3  }
0x93: {  	_ =	strace s4  }
0x94: {  	s4 =	sld [smem:$0x3FFC];
	_ =	sdelay $0x3  }
0x95: {  	_ =	strace s4  }
0x96: {  	s4 =	sld [smem:$0x3FFD];
	_ =	sdelay $0x3  }
0x97: {  	_ =	strace s4  }
0x98: {  	_ =	strace $0x8FFFFFFF  }
0x99: {  	s19 =	sld [smem:$0x3FDB];
	_ =	sdelay $0x1  }
0x9a: {  	s5 =	simm.s32 $_scs_section_size  }
0x9b: {  	s6 =	simm.s32 $_size__tile_overlayer_lowered;
	s7 =	simm.s32 $_tile_overlayer_lowered  }
0x9c: {  	s22 =	simm.s32 $0x1BFF;
	s21 =	sshll.u32 s7, $0x1;
	s4 =	sadd.s32 s5, s19  }
0x9d: {  	s8 =	simm.s32 $0x0;
	s20 =	sshll.u32 s6, $0x1;
	s6 =	sadd.s32 s21, s4  }
0x9e: {  	[timem:s8], [sflag:s22] =	dma.local [hbm:s6], s20  }
0x9f: {  	_ =	swait.ge [sflag:s22], s20  }
0xa0: {  	s5 =	ssub.s32 $0x0, s20;
	[sflag:s22] =	ssyncset.done $0x0  }
0xa1: {  	[sflag:s22] =	ssyncadd.s32 s5;
	_ =	sdelay $0x1  }
0xa2: {  	s23 =	simm.s32 $0x1B8B  }
0xa3: {  	_ =	swait.ge [sflag:s23], $0x1  }
0xa4: {  	[sflag:s23] =	ssyncset.done $0x0  }
0xa5: {  	s25 =	simm.s32 $0x1B8E;
	s24 =	sld [smem:$0x3FFE];
	[sflag:s23] =	ssyncadd.s32 $0xFFFFFFFF  }
0xa6: {  	s26 =	simm.s32 $execute0_lowered;
	[smem:$0x3FD2] =	sst s25  }
0xa7: {  	s6 =	sshll.u32 s26, $0x1;
	_ =	strace $0x80000046;
	[dreg:$0x1] =	wrdreg $0xFFFFFFFF  }
0xa8: {  	s28 =	simm.s32 $_size_execute0_lowered;
	s4 =	sadd.s32 s4, s6;
	[dreg:$0x0] =	wrdreg $0x0  }
0xa9: {  	s6 =	sshll.u32 s28, $0x1;
	[dreg:$0x2] =	wrdreg s4  }
0xaa: {  	[dreg:$0x3] =	wrdreg s6  }
0xab: {  	[dreg:$0x4] =	wrdreg $0xC0  }
0xac: {  	_ =	task [dreg:s8], $0x5FFFF  }
0xad: {  	[dreg:$0x1] =	wrdreg $0xFFFFFFFF  }
0xae: {  	[dreg:$0x0] =	wrdreg $0x60  }
0xaf: {  	[dreg:$0x2] =	wrdreg s24  }
0xb0: {  	[dreg:$0x3] =	wrdreg s2  }
0xb1: {  	[dreg:$0x4] =	wrdreg s18  }
0xb2: {  	[dreg:$0x5] =	wrdreg $0x9  }
0xb3: {  	_ =	task.clear_ibuf [dreg:s8], $0x6FFFF;
	_ =	strace $0x90000046  }
0xb4: {  	s29 =	simm.s32 $0x9;
	_ =	strace $0x80000048  }
0xb5: {  	_ =	swait.ge [sflag:s29], $0x1  }
0xb6: {  	[sflag:s29] =	ssyncadd.s32 $0xFFFFFFFF  }
0xb7: {  	_ =	strace $0x90000048  }
0xb8: {  	_ =	sfence  }
0xb9: {  	s30 =	sld [smem:$0x0];
	_ =	sdelay $0x2  }
0xba: {  	s31 =	sshll.u32 s1, $0xD;
	s1 =	sshrl.u32 s1, $0x2  }
0xbb: {  	s3 =	sand.u32 $0x4000, s31;
	s1 =	sadd.s32 s1, s30  }
0xbc: {  	s0 =	sor.u32 s3, s0;
	s1 =	sshll.u32 s1, $0x11  }
0xbd: {  	s0 =	sor.u32 s1, s0  }
0xbe: {  	s0 =	sadd.s32 $0x8F2B, s0  }
0xbf: {  	[sflag:s0] =	ssyncadd.remote.s32 $0x1  }
0xc0: {  	_ =	sfence.sel $0xFFFF  }
0xc1: {  	[dreg:$0x0] =	wrdreg $0xFFFFFFFF;
	(pc) =	sbr.abs _section_cstart, $3  }
0xc2: {  	[dreg:$0x1] =	wrdreg $0xFFFFFFFF  }
0xc3: {  	_ =	task.clear_ibuf [dreg:s8], $0x2FFFF;
	_ =	strace $0x9FFFFFFF  }
0xc4: {  	(tm) =	ssettm $0x7FFFFFFF  }
0xc5: {  	_ =	shalt  }
tec
execute0_lowered:
.L_overlay_start_1:
0x0: {  	(tag) =	ssettag $0x1  }
0x1: {  	s0 =	rddreg [dreg:$0x0];
	s1 =	simm.s32 $0x0;
	s29 =	srdreg.scid  }
0x2: {  	s4 =	stileid.u32;
	s7 =	simm.s32 $0xE000;
	s8 =	simm.s32 $0xE3E8  }
0x3: {  	s9 =	simm.s32 $0xE7D0;
	s10 =	simm.s32 $0xEBB8;
	s6 =	simm.s32 $0xEFA0  }
0x4: {  	s11 =	simm.s32 $0xF388;
	s12 =	simm.s32 $0xF770;
	s13 =	simm.s32 $0xFB58  }
0x5: {  	s14 =	simm.s32 $0xFF40;
	s15 =	simm.s32 $0x10328;
	s16 =	simm.s32 $0x10710  }
0x6: {  	s17 =	simm.s32 $0x10AF8;
	s18 =	simm.s32 $0x10EE0;
	s19 =	simm.s32 $0x112C8  }
0x7: {  	s20 =	simm.s32 $0x116B0;
	[smem:$0x7FF] =	sst s1;
	s1 =	sand.u32 $0x1, s29  }
0x8: {  	s2 =	sadd.s32 $0xC00, s0;
	s4 =	sshll.u32 s4, $0x2;
	s0 =	sadd.s32 $0x20000, s0  }
.Ltmp0:
0x9: {  	_ =	strace $0x80000047;
	s30 =	ssub.s32 $0x2, s1;
	(pc) =	sbr.rel .LBB2_1-.Ltmp0, $4  }
0xa: {  	[dreg:$0xa] =	wrdreg s2;
	s1 =	sshll.u32 s1, $0x1;
	s3 =	sshrl.u32 s30, $0x1  }
0xb: {  	[dreg:$0xb] =	wrdreg s0;
	s1 =	sor.u32 s1, s4;
	s31 =	ssub.s32 s30, s3  }
0xc: {  	s21 =	simm.s32 $0x11A98;
	[dreg:$0xc] =	wrdreg s1;
	s0 =	smax.u32 s31, $0x1  }
0xd: {  	s2 =	simm.s32 $0x0;
	p0 =	seq.s32 s1, $0x3E;
	[dreg:$0xd] =	wrdreg s0  }
.LBB2_26:
0xe: {  	s0 =	simm.s32 $0x1  }
0xf: {  	_ =	swait.ge [sflag:s0], $0x4000  }
0x10: {  	[sflag:s0] =	ssyncset.done $0x0  }
0x11: {  	s30 =	simm.s32 $0x2;
	[sflag:s0] =	ssyncadd.s32 $0xFFFFC000  }
0x12: {  	_ =	swait.ge [sflag:s30], $0x4000  }
0x13: {  	[sflag:s30] =	ssyncset.done $0x0  }
0x14: {  	s1 =	simm.s32 $0x3;
	[sflag:s30] =	ssyncadd.s32 $0xFFFFC000  }
0x15: {  	_ =	swait.ge [sflag:s1], $0x4000  }
0x16: {  	s2 =	rddreg [dreg:$0xe]  }
0x17: {  	s31 =	rddreg [dreg:$0xd];
	s2 =	sadd.s32 $0x1, s2  }
0x18: {  	p1 =	sne.s32 s2, s31  }
.Ltmp1:
0x19: {  	_ = 	snop;
	(pc) =	sbr.rel @!p1 .LBB2_27-.Ltmp1, $3  }
0x1a: {  	_ =	sdelay $0x1  }
0x1b: {  	[sflag:s1] =	ssyncset.done $0x0  }
0x1c: {  	[sflag:s1] =	ssyncadd.s32 $0xFFFFC000  }
.LBB2_1:
0x1d: {  	[dreg:$0xe] =	wrdreg s2  }
0x1e: {  	s0 =	rddreg [dreg:$0x1]  }
.Ltmp2:
0x1f: {  	s1 =	simm.s32 $0x0;
	s31 =	simm.s32 $0x4;
	(pc) =	sbr.rel .LBB2_2-.Ltmp2, $4  }
0x20: {  	[tilespmem:s1], [sflag:$0x4] =	stream.linear.gather [hbm4b:s0+s1], $0xE000, $0x38;
	[tilespmem:$0x1DE80] =	vst v63  }
0x21: {  	_ =	swait.ge [sflag:s31], $0xE000  }
0x22: {  	[sflag:s31] =	ssyncset.done $0x0  }
0x23: {  	s0 =	simm.s32 $0x0;
	[sflag:s31] =	ssyncadd.s32 $0xFFFF2000  }
.LBB2_25:
0x24: {  	s0 =	rddreg [dreg:$0xf]  }
0x25: {  	s0 =	sadd.s32 $0x1, s0  }
0x26: {  	p1 =	sne.s32 s0, $0x64  }
.Ltmp3:
0x27: {  	_ = 	snop;
	(pc) =	sbr.rel @!p1 .LBB2_26-.Ltmp3, $1  }
0x28: {  	_ =	sdelay $0x3  }
.LBB2_2:
0x29: {  	p1 =	sgt.u32 s0, $0x31;
	s4 =	smov.u32 s0  }
0x2a: {  	s0 =	simm.s32 $0x1;
	s30 =	rddreg [dreg:$0xc];
	s1 =	sadd.s32 $0xFFFFFFCE, s4  }
0x2b: {  	s0 =	simm.s32 @!p1 $0x0;
	s31 =	smul.u32 $0xAB, s4;
	s5 =	smin.u32 s4, s1  }
0x2c: {  	s1 =	sor.u32 s0, s30;
	p1 =	sne.s32 s5, $0x0  }
0x2d: {  	[dreg:$0x11] =	wrdreg s1;
	s0 =	sshrl.u32 s31, $0x9;
	s1 =	smul.u32 @!p1 $0x7D0, s1  }
0x2e: {  	s2 =	rddreg [dreg:$0xa];
	s0 =	sand.u32 $0x7F, s0;
	s3 =	simm.s32 @!p1 $0xE000  }
0x2f: {  	s0 =	smul.u32 $0x3, s0;
	s1 =	sadd.s32 @!p1 s2, s1;
	s2 =	simm.s32 @!p1 $0x0  }
0x30: {  	[tilespmem:s3], [sflag:$0x5] =	stream.linear.gather @!p1 [hbm4b:s1+s2], $0x3E80, $0x38;
	[tilespmem:$0x1DE80] =	vst v63  }
0x31: {  	p2 =	slt.u32 s4, $0x3;
	s0 =	ssub.s32 s4, s0  }
0x32: {  	s1 =	sand.u32 @!p2 $0xFF, s0  }
0x33: {  	p3 =	sne.s32 @!p2 s1, $0x0  }
0x34: {  	p3 =	por p2, p3  }
.Ltmp4:
0x35: {  	_ = 	snop;
	(pc) =	sbr.rel @p3 .LBB2_4-.Ltmp4, $4  }
0x36: {  	[dreg:$0xf] =	wrdreg s4;
	s2 =	simm.s32 @!p1 $0x5  }
0x37: {  	_ =	swait.ge @!p1 [sflag:s2], $0x3E80  }
0x38: {  	[sflag:s2] =	ssyncset.done @!p1 $0x0  }
0x39: {  	[dreg:$0x10] =	wrdreg s5;
	[sflag:s2] =	ssyncadd.s32 @!p1 $0xFFFFC180  }
0x3a: {  	s0 =	simm.s32 $0x1  }
0x3b: {  	_ =	swait.ge [sflag:s0], $0x4000  }
0x3c: {  	[sflag:s0] =	ssyncset.done $0x0  }
0x3d: {  	p2 =	por $0x0, $0x0;
	p1 =	por $0x0, $0x0;
	[sflag:s0] =	ssyncadd.s32 $0xFFFFC000  }
.LBB2_11:
0x3e: {  	s0 =	sshll.u32 s5, $0xA  }
0x3f: {  	s1 =	sshll.u32 s5, $0x7;
	s0 =	sand.u32 $0xE000, s0  }
0x40: {  	s1 =	sand.u32 $0x380, s1;
	[dreg:$0x12] =	wrdreg s0  }
0x41: {  	[dreg:$0x13] =	wrdreg s1;
	s0 =	sor.u32 s1, s0  }
0x42: {  	s3 =	simm.s32 $0x0;
	[dreg:$0x4] =	wrdreg s0  }
0x43: {  	s1 =	sand.u32 $0x60, s3;
	s0 =	sand.u32 $0x1C00, s3;
	s2 =	rddreg [dreg:$0x4]  }
0x44: {  	s30 =	sor.u32 $0x10, s1;
	s2 =	sadd.s32 s0, s2  }
0x45: {  	s23 =	sadd.s32 s30, s2  }
0x46: {  	v1 =	vld [tilespmem:s23+$0x0];
	_ =	sdelay $0x5  }
0x47: {  	s2 =	sadd.s32 s1, s2  }
0x48: {  	v0 =	vld [tilespmem:s2+$0x0]  }
0x49: {  	v2 =	vld.idx.msk [tilespmem:v1+s7+$0x0], $0xffff  }
0x4a: {  	v4 =	vld.idx.msk [tilespmem:v1+s8+$0x0], $0xffff  }
0x4b: {  	v6 =	vld.idx.msk [tilespmem:v1+s9+$0x0], $0xffff  }
0x4c: {  	v16 =	vld.idx.msk [tilespmem:v1+s10+$0x0], $0xffff  }
0x4d: {  	v17 =	vld.idx.msk [tilespmem:v1+s6+$0x0], $0xffff  }
0x4e: {  	v15 =	vld.idx.msk [tilespmem:v1+s11+$0x0], $0xffff  }
0x4f: {  	v14 =	vld.idx.msk [tilespmem:v1+s12+$0x0], $0xffff  }
0x50: {  	v13 =	vld.idx.msk [tilespmem:v1+s13+$0x0], $0xffff  }
0x51: {  	v12 =	vld.idx.msk [tilespmem:v1+s14+$0x0], $0xffff  }
0x52: {  	v11 =	vld.idx.msk [tilespmem:v1+s15+$0x0], $0xffff  }
0x53: {  	v10 =	vld.idx.msk [tilespmem:v1+s16+$0x0], $0xffff  }
0x54: {  	v9 =	vld.idx.msk [tilespmem:v1+s17+$0x0], $0xffff  }
0x55: {  	v8 =	vld.idx.msk [tilespmem:v1+s18+$0x0], $0xffff  }
0x56: {  	s24 =	sadd.s32 $0x11E80, s0;
	v7 =	vld.idx.msk [tilespmem:v1+s19+$0x0], $0xffff  }
0x57: {  	s31 =	sor.u32 s30, s24;
	v5 =	vld.idx.msk [tilespmem:v1+s20+$0x0], $0xffff  }
0x58: {  	s26 =	sor.u32 s3, s3;
	v3 =	vld.idx.msk [tilespmem:v1+s21+$0x0], $0xffff;
	[tilespmem:s31+$0x0] =	vst v2  }
0x59: {  	s25 =	sand.u32 $0x3, s3;
	s4 =	sor.u32 $0x380, s26;
	[tilespmem:s31+$0x80] =	vst v4  }
0x5a: {  	s5 =	sshll.u32 s25, $0x5;
	v1 =	vld.idx.msk [tilespmem:v0+s7+$0x0], $0xffff;
	[dreg:$0x7] =	wrdreg s4  }
0x5b: {  	s28 =	sadd.s32 $0x0, s5;
	v2 =	vld.idx.msk [tilespmem:v0+s8+$0x0], $0xffff;
	[tilespmem:s31+$0x100] =	vst v6  }
0x5c: {  	s5 =	simm.s32 $0x0;
	s29 =	sadd.s32 $0x10, s28;
	s2 =	sor.u32 s1, s24;
	v4 =	vld.idx.msk [tilespmem:v0+s9+$0x0], $0xffff;
	[tilespmem:s31+$0x180] =	vst v16  }
0x5d: {  	s7 =	sor.u32 $0x300, s28;
	s6 =	simm.s32 $0x0;
	v6 =	vld.idx.msk [tilespmem:v0+s10+$0x0], $0xffff;
	[tilespmem:s31+$0x200] =	vst v17;
	s10 =	simm.s32 $0x100  }
.LBB2_12:
0x5e: {  	s4 =	rddreg [dreg:$0x4];
	s28 =	simm.s32 $0xEFA0;
	s9 =	sor.u32 $0x300, s29  }
0x5f: {  	s3 =	sadd.s32 $0x20, s3;
	s8 =	simm.s32 $0xF388;
	s19 =	sor.u32 $0x380, s29  }
0x60: {  	s29 =	sand.u32 $0x1C00, s10;
	s21 =	simm.s32 $0xF770;
	s11 =	sadd.s32 $0x13F00, s0;
	v16 =	vld.idx.msk [tilespmem:v0+s28+$0x0], $0xffff;
	[tilespmem:s31+$0x280] =	vst v15  }
0x61: {  	s12 =	simm.s32 $0xFB58;
	s13 =	sor.u32 $0x14000, s0;
	v15 =	vld.idx.msk [tilespmem:v0+s8+$0x0], $0xffff;
	s8 =	sadd.s32 $0x13E80, s0;
	[tilespmem:s9+$0x11E80] =	vst v14  }
0x62: {  	s15 =	simm.s32 $0xFF40;
	s16 =	simm.s32 $0x10328;
	v14 =	vld.idx.msk [tilespmem:v0+s21+$0x0], $0xffff;
	s20 =	sor.u32 s30, s8;
	[tilespmem:s19+$0x11E80] =	vst v13  }
0x63: {  	s22 =	sor.u32 s30, s11;
	s31 =	sand.u32 $0x60, s3;
	v13 =	vld.idx.msk [tilespmem:v0+s12+$0x0], $0xffff;
	s12 =	sadd.s32 $0x13F80, s0;
	[tilespmem:s20+$0x0] =	vst v12  }
0x64: {  	s4 =	sadd.s32 s29, s4;
	s14 =	sor.u32 $0x10, s31;
	v12 =	vld.idx.msk [tilespmem:v0+s15+$0x0], $0xffff;
	s23 =	sor.u32 s30, s12;
	[tilespmem:s22+$0x0] =	vst v11  }
0x65: {  	s17 =	sor.u32 $0x14180, s0;
	s25 =	sor.u32 s30, s13;
	s24 =	sadd.s32 s14, s4;
	v11 =	vld.idx.msk [tilespmem:v0+s16+$0x0], $0xffff;
	[tilespmem:s23+$0x0] =	vst v10  }
0x66: {  	s4 =	sadd.s32 s31, s4;
	s15 =	sor.u32 $0x14100, s0;
	s16 =	sor.u32 $0x14080, s0;
	v17 =	vld [tilespmem:s24+$0x0]  }
0x67: {  	s20 =	sor.u32 $0x14200, s0;
	s22 =	simm.s32 $0x10710;
	s26 =	sor.u32 s30, s16;
	[tilespmem:s25+$0x0] =	vst v9;
	v9 =	vld [tilespmem:s4+$0x0]  }
0x68: {  	s19 =	sor.u32 s30, s15;
	s23 =	simm.s32 $0x10AF8;
	s25 =	sor.u32 s30, s17;
	[tilespmem:s26+$0x0] =	vst v8;
	v8 =	vld.idx.msk [tilespmem:v0+s22+$0x0], $0xffff  }
0x69: {  	s26 =	sor.u32 s30, s20;
	s30 =	smov.u32 s14;
	s14 =	simm.s32 $0x11A98;
	[tilespmem:s19+$0x0] =	vst v7;
	v7 =	vld.idx.msk [tilespmem:v0+s23+$0x0], $0xffff  }
0x6a: {  	s24 =	simm.s32 $0x10EE0;
	v19 =	vld.idx.msk [tilespmem:v0+s14+$0x0], $0xffff  }
0x6b: {  	[tilespmem:s25+$0x0] =	vst v5;
	v5 =	vld.idx.msk [tilespmem:v0+s24+$0x0], $0xffff;
	s25 =	simm.s32 $0x112C8  }
0x6c: {  	[tilespmem:s26+$0x0] =	vst v3;
	v3 =	vld.idx.msk [tilespmem:v0+s25+$0x0], $0xffff;
	s26 =	simm.s32 $0x116B0  }
0x6d: {  	s18 =	sor.u32 s10, s3;
	s0 =	smov.u32 s29;
	s29 =	simm.s32 $0xE000;
	v18 =	vld.idx.msk [tilespmem:v0+s26+$0x0], $0xffff;
	[tilespmem:s2+$0x0] =	vst v1  }
0x6e: {  	s4 =	sor.u32 $0x380, s18;
	s18 =	simm.s32 $0xE3E8;
	[tilespmem:s2+$0x80] =	vst v2;
	v1 =	vld.idx.msk [tilespmem:v17+s29+$0x0], $0xffff  }
0x6f: {  	s19 =	simm.s32 $0xE7D0;
	[tilespmem:s2+$0x100] =	vst v4;
	v2 =	vld.idx.msk [tilespmem:v17+s18+$0x0], $0xffff  }
0x70: {  	s9 =	sor.u32 s1, s17;
	s17 =	sor.u32 s1, s20;
	s20 =	simm.s32 $0xEBB8;
	[tilespmem:s2+$0x180] =	vst v6;
	v4 =	vld.idx.msk [tilespmem:v17+s19+$0x0], $0xffff  }
0x71: {  	[tilespmem:s2+$0x200] =	vst v16;
	v6 =	vld.idx.msk [tilespmem:v17+s20+$0x0], $0xffff  }
0x72: {  	[tilespmem:s2+$0x280] =	vst v15;
	s2 =	simm.s32 $0xF388;
	v16 =	vld.idx.msk [tilespmem:v17+s28+$0x0], $0xffff  }
0x73: {  	[tilespmem:s7+$0x11E80] =	vst v14;
	s7 =	rddreg [dreg:$0x7];
	v15 =	vld.idx.msk [tilespmem:v17+s2+$0x0], $0xffff  }
0x74: {  	[tilespmem:s7+$0x11E80] =	vst v13;
	s7 =	simm.s32 $0xFB58;
	v14 =	vld.idx.msk [tilespmem:v17+s21+$0x0], $0xffff  }
0x75: {  	v13 =	vld.idx.msk [tilespmem:v17+s7+$0x0], $0xffff  }
0x76: {  	s8 =	sor.u32 s1, s8;
	v10 =	vld.idx.msk [tilespmem:v17+s22+$0x0], $0xffff  }
0x77: {  	s11 =	sor.u32 s1, s11;
	v0 =	vmov v9;
	s21 =	smov.u32 s4;
	[tilespmem:s8+$0x0] =	vst v12;
	s4 =	simm.s32 $0xFF40;
	v9 =	vld.idx.msk [tilespmem:v17+s23+$0x0], $0xffff  }
0x78: {  	s12 =	sor.u32 s1, s12;
	s7 =	simm.s32 $0x10328;
	v12 =	vld.idx.msk [tilespmem:v17+s4+$0x0], $0xffff;
	[tilespmem:s11+$0x0] =	vst v11  }
0x79: {  	s13 =	sor.u32 s1, s13;
	v11 =	vld.idx.msk [tilespmem:v17+s7+$0x0], $0xffff;
	[tilespmem:s12+$0x0] =	vst v8  }
0x7a: {  	s16 =	sor.u32 s1, s16;
	v8 =	vld.idx.msk [tilespmem:v17+s24+$0x0], $0xffff;
	[tilespmem:s13+$0x0] =	vst v7  }
0x7b: {  	s15 =	sor.u32 s1, s15;
	s24 =	sadd.s32 $0x11E80, s0;
	v7 =	vld.idx.msk [tilespmem:v17+s25+$0x0], $0xffff;
	[tilespmem:s16+$0x0] =	vst v5  }
0x7c: {  	s5 =	sadd.s32 $0x2, s5;
	s1 =	smov.u32 s31;
	s31 =	sor.u32 s30, s24;
	v5 =	vld.idx.msk [tilespmem:v17+s26+$0x0], $0xffff;
	[tilespmem:s15+$0x0] =	vst v3  }
0x7d: {  	s6 =	sadd.s32 $0x1, s6;
	p3 =	slt.u32 s5, $0x3E;
	v3 =	vld.idx.msk [tilespmem:v17+s14+$0x0], $0xffff;
	[tilespmem:s31+$0x0] =	vst v1  }
0x7e: {  	s28 =	simm.s32 $0xF388;
	s8 =	simm.s32 $0xFF40;
	s22 =	simm.s32 $0x10AF8;
	[tilespmem:s9+$0x0] =	vst v18  }
.Ltmp5:
0x7f: {  	[dreg:$0x7] =	wrdreg s21;
	s21 =	simm.s32 $0xFB58;
	[tilespmem:s17+$0x0] =	vst v19;
	(pc) =	sbr.rel @p3 .LBB2_12-.Ltmp5, $4  }
0x80: {  	s11 =	simm.s32 $0x10328;
	s12 =	simm.s32 $0x11A98;
	s26 =	sand.u32 $0x3, s6;
	[tilespmem:s31+$0x80] =	vst v2;
	v1 =	vld.idx.msk [tilespmem:v0+s29+$0x0], $0xffff  }
0x81: {  	s2 =	sor.u32 s1, s24;
	s13 =	simm.s32 $0x116B0;
	s4 =	sshll.u32 s26, $0x5;
	[tilespmem:s31+$0x100] =	vst v4;
	v2 =	vld.idx.msk [tilespmem:v0+s18+$0x0], $0xffff  }
0x82: {  	s16 =	simm.s32 $0x10EE0;
	s15 =	simm.s32 $0x112C8;
	[tilespmem:s31+$0x180] =	vst v6;
	s4 =	sadd.s32 s4, s10;
	v4 =	vld.idx.msk [tilespmem:v0+s19+$0x0], $0xffff  }
0x83: {  	[tilespmem:s31+$0x200] =	vst v16;
	s10 =	sadd.s32 $0x100, s10;
	s7 =	sor.u32 $0x300, s4;
	v6 =	vld.idx.msk [tilespmem:v0+s20+$0x0], $0xffff;
	s29 =	sadd.s32 $0x10, s4  }
0x84: {  	_ =	sdelay $0x3  }
0x85: {  	v53 =	vld.idx.msk [tilespmem:v0+s28+$0x0], $0xffff  }
0x86: {  	v55 =	vld.idx.msk [tilespmem:v0+s21+$0x0], $0xffff  }
0x87: {  	v56 =	vld.idx.msk [tilespmem:v0+s8+$0x0], $0xffff  }
0x88: {  	v57 =	vld.idx.msk [tilespmem:v0+s11+$0x0], $0xffff  }
0x89: {  	v59 =	vld.idx.msk [tilespmem:v0+s22+$0x0], $0xffff  }
0x8a: {  	v60 =	vld.idx.msk [tilespmem:v0+s16+$0x0], $0xffff  }
0x8b: {  	v61 =	vld.idx.msk [tilespmem:v0+s15+$0x0], $0xffff  }
0x8c: {  	v62 =	vld.idx.msk [tilespmem:v0+s13+$0x0], $0xffff  }
0x8d: {  	s3 =	simm.s32 $0xEFA0;
	v63 =	vld.idx.msk [tilespmem:v0+s12+$0x0], $0xffff  }
0x8e: {  	[tilespmem:s31+$0x280] =	vst v15;
	s26 =	sor.u32 $0x300, s29;
	s5 =	simm.s32 $0xF770;
	v16 =	vld.idx.msk [tilespmem:v0+s3+$0x0], $0xffff  }
0x8f: {  	s17 =	simm.s32 $0x10710;
	[tilespmem:s26+$0x11E80] =	vst v14;
	v54 =	vld.idx.msk [tilespmem:v0+s5+$0x0], $0xffff  }
0x90: {  	s28 =	sor.u32 $0x380, s29;
	v58 =	vld.idx.msk [tilespmem:v0+s17+$0x0], $0xffff;
	[tilespmem:s2+$0x0] =	vst v1  }
0x91: {  	s4 =	sadd.s32 $0x13E80, s0;
	[tilespmem:s28+$0x11E80] =	vst v13  }
0x92: {  	s31 =	sor.u32 s30, s4;
	[tilespmem:s2+$0x80] =	vst v2  }
0x93: {  	s29 =	sadd.s32 $0x13F00, s0;
	[tilespmem:s31+$0x0] =	vst v12  }
0x94: {  	s9 =	sor.u32 s30, s29;
	[tilespmem:s2+$0x100] =	vst v4  }
0x95: {  	s6 =	sadd.s32 $0x13F80, s0;
	[tilespmem:s9+$0x0] =	vst v11  }
0x96: {  	s10 =	sor.u32 s30, s6;
	[tilespmem:s2+$0x180] =	vst v6  }
0x97: {  	s14 =	sor.u32 $0x14000, s0;
	[tilespmem:s10+$0x0] =	vst v10  }
0x98: {  	s11 =	sor.u32 s30, s14;
	[tilespmem:s2+$0x280] =	vst v53  }
0x99: {  	s9 =	sor.u32 $0x14080, s0;
	[tilespmem:s11+$0x0] =	vst v9  }
0x9a: {  	s18 =	sor.u32 s30, s9;
	[tilespmem:s2+$0x200] =	vst v16  }
0x9b: {  	s10 =	sor.u32 $0x14100, s0;
	[tilespmem:s18+$0x0] =	vst v8  }
0x9c: {  	s19 =	sor.u32 $0x14180, s0;
	s20 =	sor.u32 s30, s10;
	[tilespmem:s7+$0x11E80] =	vst v54  }
0x9d: {  	s21 =	sor.u32 $0x14200, s0;
	s22 =	sor.u32 s30, s19;
	[tilespmem:s20+$0x0] =	vst v7  }
0x9e: {  	s23 =	sor.u32 s30, s21;
	[tilespmem:s22+$0x0] =	vst v5  }
0x9f: {  	[tilespmem:s23+$0x0] =	vst v3  }
0xa0: {  	s3 =	rddreg [dreg:$0x7]  }
0xa1: {  	s24 =	sor.u32 s1, s4;
	[tilespmem:s3+$0x11E80] =	vst v55  }
0xa2: {  	s25 =	sor.u32 s1, s29;
	[tilespmem:s24+$0x0] =	vst v56  }
0xa3: {  	s26 =	sor.u32 s1, s6;
	[tilespmem:s25+$0x0] =	vst v57  }
0xa4: {  	s12 =	simm.s32 $0xF770;
	s13 =	simm.s32 $0xFB58;
	s28 =	sor.u32 s1, s14;
	[tilespmem:s26+$0x0] =	vst v58  }
.Ltmp6:
0xa5: {  	s15 =	simm.s32 $0x10328;
	s29 =	sor.u32 s1, s9;
	[tilespmem:s28+$0x0] =	vst v59;
	(pc) =	sbr.rel @!p0 .LBB2_14-.Ltmp6, $4  }
0xa6: {  	s16 =	simm.s32 $0x10710;
	s6 =	simm.s32 $0xEFA0;
	s30 =	sor.u32 s1, s10;
	[tilespmem:s29+$0x0] =	vst v60  }
0xa7: {  	s17 =	simm.s32 $0x10AF8;
	s14 =	simm.s32 $0xFF40;
	s31 =	sor.u32 s1, s19;
	[tilespmem:s30+$0x0] =	vst v61  }
0xa8: {  	s19 =	simm.s32 $0x112C8;
	s0 =	sor.u32 s1, s21;
	s21 =	simm.s32 $0x11A98;
	[tilespmem:s31+$0x0] =	vst v62  }
0xa9: {  	s11 =	simm.s32 $0xF388;
	s18 =	simm.s32 $0x10EE0;
	s20 =	simm.s32 $0x116B0;
	[tilespmem:s0+$0x0] =	vst v63  }
0xaa: {  	s0 =	rddreg [dreg:$0x11]  }
0xab: {  	s5 =	rddreg [dreg:$0x10];
	p3 =	sne.s32 s0, $0x3E  }
0xac: {  	s0 =	simm.s32 @p3 $0x0;
	s1 =	rddreg @p3 [dreg:$0xb];
	s2 =	simm.s32 @p3 $0x11E80  }
0xad: {  	[hbm4b:s1+s0] =	stream.linear.scatter @p3 [tilespmem:s2], [sflag:$0x1], $0x4000, $0x38;
	[tilespmem:$0x1DE80] =	vst v63  }
0xae: {  	s0 =	smul.u32 @!p3 $0xFA000, s5;
	_ =	sdelay $0x1  }
0xaf: {  	s1 =	rddreg @!p3 [dreg:$0x2];
	s0 =	sshrl.u32 @!p3 s0, $0x3  }
0xb0: {  	s0 =	sadd.s32 @!p3 s1, s0  }
0xb1: {  	s2 =	simm.s32 @!p3 $0x11E80;
	s1 =	simm.s32 @!p3 $0x0;
	s0 =	sadd.s32 @!p3 $0x1F000, s0  }
0xb2: {  	[hbm4b:s0+s1] =	stream.linear.scatter @!p3 [tilespmem:s2], [sflag:$0x1], $0x2000, $0x38;
	[tilespmem:$0x1DE80] =	vst v63  }
.Ltmp7:
0xb3: {  	_ = 	snop;
	(pc) =	sbr.rel @!p2 .LBB2_15-.Ltmp7, $4  }
.Ltmp8:
0xb4: {  	s0 =	rddreg @!p3 [dreg:$0xb];
	s2 =	simm.s32 @!p3 $0x13E80;
	(pc) =	sbr.rel @p2 .LBB2_17-.Ltmp8, $4  }
0xb5: {  	[hbm4b:s0+s1] =	stream.linear.scatter @!p3 [tilespmem:s2], [sflag:$0x1], $0x2000, $0x38;
	[tilespmem:$0x1DE80] =	vst v63  }
0xb6: {  	s7 =	simm.s32 $0xE000;
	s8 =	simm.s32 $0xE3E8;
	s0 =	rddreg [dreg:$0x12]  }
0xb7: {  	s9 =	simm.s32 $0xE7D0;
	s10 =	simm.s32 $0xEBB8;
	s1 =	rddreg [dreg:$0x13]  }
0xb8: {  	_ = 	snop  }
.LBB2_14:
0xb9: {  	s5 =	rddreg [dreg:$0x10]  }
0xba: {  	s1 =	rddreg [dreg:$0x11];
	s0 =	smul.u32 $0xFA000, s5  }
0xbb: {  	s30 =	rddreg [dreg:$0x2];
	s1 =	sshll.u32 s1, $0xE  }
.Ltmp9:
0xbc: {  	s31 =	simm.s32 $0x0;
	s0 =	sadd.s32 s0, s1;
	(pc) =	sbr.rel @p2 .LBB2_17-.Ltmp9, $4  }
0xbd: {  	s2 =	simm.s32 $0x11E80;
	s7 =	simm.s32 $0xE000;
	s0 =	sshrl.u32 s0, $0x3  }
0xbe: {  	s8 =	simm.s32 $0xE3E8;
	s1 =	rddreg [dreg:$0x13];
	s0 =	sadd.s32 s30, s0  }
0xbf: {  	[hbm4b:s0+s31] =	stream.linear.scatter [tilespmem:s2], [sflag:$0x1], $0x4000, $0x38;
	[tilespmem:$0x1DE80] =	vst v63  }
0xc0: {  	s9 =	simm.s32 $0xE7D0;
	s10 =	simm.s32 $0xEBB8;
	s0 =	rddreg [dreg:$0x12]  }
.LBB2_15:
.Ltmp10:
0xc1: {  	(pc) =	sbr.rel @!p1 .LBB2_25-.Ltmp10, $4  }
.Ltmp11:
0xc2: {  	(pc) =	sbr.rel @p1 .LBB2_22-.Ltmp11, $4  }
0xc3: {  	_ = 	snop  }
0xc4: {  	_ = 	snop  }
0xc5: {  	_ = 	snop  }
0xc6: {  	_ = 	snop  }
.LBB2_4:
0xc7: {  	p1 =	sne.s32 @!p2 s1, $0x1  }
0xc8: {  	p1 =	por p2, p1  }
.Ltmp12:
0xc9: {  	_ = 	snop;
	(pc) =	sbr.rel @p1 .LBB2_7-.Ltmp12, $1  }
0xca: {  	_ =	sdelay $0x3  }
0xcb: {  	s0 =	simm.s32 $0x2  }
0xcc: {  	_ =	swait.ge [sflag:s0], $0x4000  }
0xcd: {  	[sflag:s0] =	ssyncset.done $0x0  }
0xce: {  	p1 =	por $0x0, $0x0;
	[sflag:s0] =	ssyncadd.s32 $0xFFFFC000  }
.LBB2_6:
0xcf: {  	s0 =	sshll.u32 s5, $0xA;
	s1 =	sshll.u32 s5, $0x7  }
0xd0: {  	s0 =	sand.u32 $0xE000, s0;
	s1 =	sand.u32 $0x380, s1  }
.LBB2_17:
0xd1: {  	s0 =	sadd.s32 s1, s0  }
0xd2: {  	s3 =	simm.s32 $0x0;
	[dreg:$0x5] =	wrdreg s0  }
0xd3: {  	s1 =	sand.u32 $0x60, s3;
	s0 =	sand.u32 $0x1C00, s3;
	s2 =	rddreg [dreg:$0x5]  }
0xd4: {  	s4 =	sor.u32 $0x10, s1;
	s2 =	sadd.s32 s0, s2  }
0xd5: {  	s5 =	sadd.s32 s4, s2  }
0xd6: {  	v1 =	vld [tilespmem:s5+$0x0];
	_ =	sdelay $0x5  }
0xd7: {  	s2 =	sadd.s32 s1, s2  }
0xd8: {  	v0 =	vld [tilespmem:s2+$0x0]  }
0xd9: {  	v2 =	vld.idx.msk [tilespmem:v1+s7+$0x0], $0xffff  }
0xda: {  	v4 =	vld.idx.msk [tilespmem:v1+s8+$0x0], $0xffff  }
0xdb: {  	v6 =	vld.idx.msk [tilespmem:v1+s9+$0x0], $0xffff  }
0xdc: {  	v16 =	vld.idx.msk [tilespmem:v1+s10+$0x0], $0xffff  }
0xdd: {  	v17 =	vld.idx.msk [tilespmem:v1+s6+$0x0], $0xffff  }
0xde: {  	v15 =	vld.idx.msk [tilespmem:v1+s11+$0x0], $0xffff  }
0xdf: {  	v14 =	vld.idx.msk [tilespmem:v1+s12+$0x0], $0xffff  }
0xe0: {  	v13 =	vld.idx.msk [tilespmem:v1+s13+$0x0], $0xffff  }
0xe1: {  	v12 =	vld.idx.msk [tilespmem:v1+s14+$0x0], $0xffff  }
0xe2: {  	v11 =	vld.idx.msk [tilespmem:v1+s15+$0x0], $0xffff  }
0xe3: {  	v10 =	vld.idx.msk [tilespmem:v1+s16+$0x0], $0xffff  }
0xe4: {  	v9 =	vld.idx.msk [tilespmem:v1+s17+$0x0], $0xffff  }
0xe5: {  	v8 =	vld.idx.msk [tilespmem:v1+s18+$0x0], $0xffff  }
0xe6: {  	s25 =	sadd.s32 $0x15E80, s0;
	v7 =	vld.idx.msk [tilespmem:v1+s19+$0x0], $0xffff  }
0xe7: {  	s29 =	sor.u32 s4, s25;
	v5 =	vld.idx.msk [tilespmem:v1+s20+$0x0], $0xffff  }
0xe8: {  	s28 =	sor.u32 s3, s3;
	v3 =	vld.idx.msk [tilespmem:v1+s21+$0x0], $0xffff;
	[tilespmem:s29+$0x0] =	vst v2  }
0xe9: {  	s26 =	sand.u32 $0x3, s3;
	s6 =	sor.u32 $0x380, s28;
	[tilespmem:s29+$0x80] =	vst v4  }
0xea: {  	s5 =	sshll.u32 s26, $0x5;
	v1 =	vld.idx.msk [tilespmem:v0+s7+$0x0], $0xffff;
	[dreg:$0x8] =	wrdreg s6  }
0xeb: {  	s31 =	sadd.s32 $0x0, s5;
	v2 =	vld.idx.msk [tilespmem:v0+s8+$0x0], $0xffff;
	[tilespmem:s29+$0x100] =	vst v6  }
0xec: {  	s2 =	sor.u32 s1, s25;
	s5 =	simm.s32 $0x0;
	s30 =	sadd.s32 $0x10, s31;
	v4 =	vld.idx.msk [tilespmem:v0+s9+$0x0], $0xffff;
	[tilespmem:s29+$0x180] =	vst v16  }
0xed: {  	s7 =	sor.u32 $0x300, s31;
	s6 =	simm.s32 $0x0;
	v6 =	vld.idx.msk [tilespmem:v0+s10+$0x0], $0xffff;
	[tilespmem:s29+$0x200] =	vst v17;
	s10 =	simm.s32 $0x100  }
.LBB2_18:
0xee: {  	s8 =	rddreg [dreg:$0x5];
	s20 =	simm.s32 $0xEFA0;
	s9 =	sor.u32 $0x300, s30  }
0xef: {  	s3 =	sadd.s32 $0x20, s3;
	s11 =	simm.s32 $0xF388;
	s25 =	sor.u32 $0x380, s30  }
0xf0: {  	s12 =	sand.u32 $0x1C00, s10;
	s21 =	simm.s32 $0xF770;
	s13 =	sadd.s32 $0x17F00, s0;
	v16 =	vld.idx.msk [tilespmem:v0+s20+$0x0], $0xffff;
	[tilespmem:s29+$0x280] =	vst v15  }
0xf1: {  	s14 =	simm.s32 $0xFB58;
	s28 =	sadd.s32 $0x17F80, s0;
	v15 =	vld.idx.msk [tilespmem:v0+s11+$0x0], $0xffff;
	s11 =	sadd.s32 $0x17E80, s0;
	[tilespmem:s9+$0x15E80] =	vst v14  }
0xf2: {  	s15 =	sor.u32 $0x18000, s0;
	s17 =	simm.s32 $0xFF40;
	v14 =	vld.idx.msk [tilespmem:v0+s21+$0x0], $0xffff;
	s26 =	sor.u32 s4, s11;
	[tilespmem:s25+$0x15E80] =	vst v13  }
0xf3: {  	s18 =	sor.u32 s4, s13;
	s8 =	sadd.s32 s12, s8;
	s29 =	sand.u32 $0x60, s3;
	v13 =	vld.idx.msk [tilespmem:v0+s14+$0x0], $0xffff;
	[tilespmem:s26+$0x0] =	vst v12  }
0xf4: {  	s19 =	sor.u32 s4, s28;
	s16 =	sor.u32 $0x10, s29;
	v12 =	vld.idx.msk [tilespmem:v0+s17+$0x0], $0xffff;
	[tilespmem:s18+$0x0] =	vst v11;
	s18 =	simm.s32 $0x10328  }
0xf5: {  	s30 =	sor.u32 $0x18080, s0;
	s31 =	sor.u32 $0x18180, s0;
	s22 =	sadd.s32 s16, s8;
	v11 =	vld.idx.msk [tilespmem:v0+s18+$0x0], $0xffff;
	[tilespmem:s19+$0x0] =	vst v10  }
0xf6: {  	s23 =	sor.u32 s4, s15;
	s8 =	sadd.s32 s29, s8;
	s17 =	sor.u32 $0x18100, s0;
	v17 =	vld [tilespmem:s22+$0x0]  }
0xf7: {  	s19 =	sor.u32 $0x18200, s0;
	s0 =	smov.u32 s12;
	s12 =	simm.s32 $0x11A98;
	[tilespmem:s23+$0x0] =	vst v9;
	v9 =	vld [tilespmem:s8+$0x0]  }
0xf8: {  	s24 =	sor.u32 s4, s30;
	s22 =	simm.s32 $0x10710;
	v19 =	vld.idx.msk [tilespmem:v0+s12+$0x0], $0xffff  }
0xf9: {  	s25 =	sor.u32 s10, s3;
	s18 =	sor.u32 s4, s17;
	s23 =	simm.s32 $0x10AF8;
	[tilespmem:s24+$0x0] =	vst v8;
	v8 =	vld.idx.msk [tilespmem:v0+s22+$0x0], $0xffff  }
0xfa: {  	s14 =	sor.u32 s1, s28;
	s26 =	sor.u32 s4, s31;
	s24 =	simm.s32 $0x10EE0;
	[tilespmem:s18+$0x0] =	vst v7;
	v7 =	vld.idx.msk [tilespmem:v0+s23+$0x0], $0xffff  }
0xfb: {  	s28 =	sor.u32 s4, s19;
	s8 =	sor.u32 $0x380, s25;
	s25 =	simm.s32 $0x112C8;
	[tilespmem:s26+$0x0] =	vst v5;
	v5 =	vld.idx.msk [tilespmem:v0+s24+$0x0], $0xffff  }
0xfc: {  	s26 =	simm.s32 $0x116B0;
	[tilespmem:s28+$0x0] =	vst v3;
	v3 =	vld.idx.msk [tilespmem:v0+s25+$0x0], $0xffff  }
0xfd: {  	v18 =	vld.idx.msk [tilespmem:v0+s26+$0x0], $0xffff;
	[tilespmem:s2+$0x0] =	vst v1;
	s28 =	simm.s32 $0xE000  }
0xfe: {  	s9 =	sor.u32 s1, s15;
	s15 =	sor.u32 s1, s30;
	s18 =	simm.s32 $0xE3E8;
	[tilespmem:s2+$0x80] =	vst v2;
	v1 =	vld.idx.msk [tilespmem:v17+s28+$0x0], $0xffff  }
0xff: {  	s30 =	sor.u32 s1, s31;
	s31 =	sor.u32 s1, s19;
	s19 =	simm.s32 $0xE7D0;
	[tilespmem:s2+$0x100] =	vst v4;
	v2 =	vld.idx.msk [tilespmem:v17+s18+$0x0], $0xffff  }
0x100: {  	s4 =	smov.u32 s16;
	s16 =	simm.s32 $0xEBB8;
	[tilespmem:s2+$0x180] =	vst v6;
	v4 =	vld.idx.msk [tilespmem:v17+s19+$0x0], $0xffff  }
0x101: {  	[tilespmem:s2+$0x200] =	vst v16;
	v6 =	vld.idx.msk [tilespmem:v17+s16+$0x0], $0xffff  }
0x102: {  	[tilespmem:s2+$0x280] =	vst v15;
	s2 =	simm.s32 $0xF388;
	v16 =	vld.idx.msk [tilespmem:v17+s20+$0x0], $0xffff  }
0x103: {  	[tilespmem:s7+$0x15E80] =	vst v14;
	s7 =	rddreg [dreg:$0x8];
	v15 =	vld.idx.msk [tilespmem:v17+s2+$0x0], $0xffff  }
0x104: {  	[tilespmem:s7+$0x15E80] =	vst v13;
	s7 =	simm.s32 $0xFB58;
	v14 =	vld.idx.msk [tilespmem:v17+s21+$0x0], $0xffff  }
0x105: {  	s11 =	sor.u32 s1, s11;
	v13 =	vld.idx.msk [tilespmem:v17+s7+$0x0], $0xffff  }
0x106: {  	s13 =	sor.u32 s1, s13;
	[tilespmem:s11+$0x0] =	vst v12;
	v10 =	vld.idx.msk [tilespmem:v17+s22+$0x0], $0xffff  }
0x107: {  	v0 =	vmov v9;
	s21 =	smov.u32 s8;
	s8 =	simm.s32 $0xFF40;
	[tilespmem:s13+$0x0] =	vst v11;
	v9 =	vld.idx.msk [tilespmem:v17+s23+$0x0], $0xffff  }
0x108: {  	s13 =	simm.s32 $0x10328;
	v12 =	vld.idx.msk [tilespmem:v17+s8+$0x0], $0xffff;
	[tilespmem:s14+$0x0] =	vst v8  }
0x109: {  	v11 =	vld.idx.msk [tilespmem:v17+s13+$0x0], $0xffff;
	[tilespmem:s9+$0x0] =	vst v7  }
0x10a: {  	s17 =	sor.u32 s1, s17;
	v8 =	vld.idx.msk [tilespmem:v17+s24+$0x0], $0xffff;
	[tilespmem:s15+$0x0] =	vst v5  }
0x10b: {  	s5 =	sadd.s32 $0x2, s5;
	s24 =	sadd.s32 $0x15E80, s0;
	v7 =	vld.idx.msk [tilespmem:v17+s25+$0x0], $0xffff;
	[tilespmem:s17+$0x0] =	vst v3  }
0x10c: {  	s6 =	sadd.s32 $0x1, s6;
	s1 =	smov.u32 s29;
	s29 =	sor.u32 s4, s24;
	v5 =	vld.idx.msk [tilespmem:v17+s26+$0x0], $0xffff;
	[tilespmem:s30+$0x0] =	vst v18  }
0x10d: {  	p2 =	slt.u32 s5, $0x3E;
	s11 =	simm.s32 $0xFF40;
	s20 =	simm.s32 $0xF388;
	v3 =	vld.idx.msk [tilespmem:v17+s12+$0x0], $0xffff;
	[tilespmem:s29+$0x0] =	vst v1  }
.Ltmp13:
0x10e: {  	s22 =	simm.s32 $0x10EE0;
	[dreg:$0x8] =	wrdreg s21;
	[tilespmem:s31+$0x0] =	vst v19;
	(pc) =	sbr.rel @p2 .LBB2_18-.Ltmp13, $4  }
0x10f: {  	s21 =	simm.s32 $0xFB58;
	s14 =	simm.s32 $0x116B0;
	s26 =	sand.u32 $0x3, s6;
	[tilespmem:s29+$0x80] =	vst v2;
	v1 =	vld.idx.msk [tilespmem:v0+s28+$0x0], $0xffff  }
0x110: {  	s13 =	simm.s32 $0x11A98;
	s9 =	simm.s32 $0x10AF8;
	s7 =	sshll.u32 s26, $0x5;
	[tilespmem:s29+$0x100] =	vst v4;
	v2 =	vld.idx.msk [tilespmem:v0+s18+$0x0], $0xffff  }
0x111: {  	s2 =	sor.u32 s1, s24;
	s15 =	simm.s32 $0x112C8;
	[tilespmem:s29+$0x180] =	vst v6;
	s31 =	sadd.s32 s7, s10;
	v4 =	vld.idx.msk [tilespmem:v0+s19+$0x0], $0xffff  }
0x112: {  	[tilespmem:s29+$0x200] =	vst v16;
	s10 =	sadd.s32 $0x100, s10;
	v6 =	vld.idx.msk [tilespmem:v0+s16+$0x0], $0xffff;
	s7 =	sor.u32 $0x300, s31;
	s30 =	sadd.s32 $0x10, s31  }
0x113: {  	_ =	sdelay $0x3  }
0x114: {  	v53 =	vld.idx.msk [tilespmem:v0+s20+$0x0], $0xffff  }
0x115: {  	v55 =	vld.idx.msk [tilespmem:v0+s21+$0x0], $0xffff  }
0x116: {  	v56 =	vld.idx.msk [tilespmem:v0+s11+$0x0], $0xffff  }
0x117: {  	v59 =	vld.idx.msk [tilespmem:v0+s9+$0x0], $0xffff  }
0x118: {  	v60 =	vld.idx.msk [tilespmem:v0+s22+$0x0], $0xffff  }
0x119: {  	v61 =	vld.idx.msk [tilespmem:v0+s15+$0x0], $0xffff  }
0x11a: {  	v62 =	vld.idx.msk [tilespmem:v0+s14+$0x0], $0xffff  }
0x11b: {  	s3 =	simm.s32 $0xEFA0;
	v63 =	vld.idx.msk [tilespmem:v0+s13+$0x0], $0xffff  }
0x11c: {  	s6 =	simm.s32 $0xF770;
	v16 =	vld.idx.msk [tilespmem:v0+s3+$0x0], $0xffff  }
0x11d: {  	[tilespmem:s29+$0x280] =	vst v15;
	s24 =	sor.u32 $0x300, s30;
	s10 =	simm.s32 $0x10328;
	v54 =	vld.idx.msk [tilespmem:v0+s6+$0x0], $0xffff  }
0x11e: {  	s16 =	simm.s32 $0x10710;
	[tilespmem:s24+$0x15E80] =	vst v14;
	v57 =	vld.idx.msk [tilespmem:v0+s10+$0x0], $0xffff  }
0x11f: {  	s25 =	sor.u32 $0x380, s30;
	v58 =	vld.idx.msk [tilespmem:v0+s16+$0x0], $0xffff;
	[tilespmem:s2+$0x0] =	vst v1  }
0x120: {  	s5 =	sadd.s32 $0x17E80, s0;
	[tilespmem:s25+$0x15E80] =	vst v13  }
0x121: {  	s28 =	sor.u32 s4, s5;
	[tilespmem:s2+$0x80] =	vst v2  }
0x122: {  	s26 =	sadd.s32 $0x17F00, s0;
	[tilespmem:s28+$0x0] =	vst v12  }
0x123: {  	s29 =	sor.u32 s4, s26;
	[tilespmem:s2+$0x100] =	vst v4  }
0x124: {  	s8 =	sadd.s32 $0x17F80, s0;
	[tilespmem:s29+$0x0] =	vst v11  }
0x125: {  	s30 =	sor.u32 s4, s8;
	[tilespmem:s2+$0x180] =	vst v6  }
0x126: {  	s17 =	sor.u32 $0x18000, s0;
	[tilespmem:s30+$0x0] =	vst v10  }
0x127: {  	s12 =	sor.u32 s4, s17;
	[tilespmem:s2+$0x280] =	vst v53  }
0x128: {  	s31 =	sor.u32 $0x18080, s0;
	[tilespmem:s12+$0x0] =	vst v9  }
0x129: {  	s19 =	sor.u32 s4, s31;
	[tilespmem:s2+$0x200] =	vst v16  }
0x12a: {  	s18 =	sor.u32 $0x18100, s0;
	[tilespmem:s19+$0x0] =	vst v8  }
0x12b: {  	s20 =	sor.u32 s4, s18;
	s12 =	sor.u32 $0x18180, s0;
	[tilespmem:s7+$0x15E80] =	vst v54  }
0x12c: {  	s21 =	sor.u32 $0x18200, s0;
	s22 =	sor.u32 s4, s12;
	[tilespmem:s20+$0x0] =	vst v7  }
0x12d: {  	s23 =	sor.u32 s4, s21;
	[tilespmem:s22+$0x0] =	vst v5  }
0x12e: {  	[tilespmem:s23+$0x0] =	vst v3  }
0x12f: {  	s3 =	rddreg [dreg:$0x8]  }
0x130: {  	s24 =	sor.u32 s1, s5;
	[tilespmem:s3+$0x15E80] =	vst v55  }
0x131: {  	s25 =	sor.u32 s1, s26;
	[tilespmem:s24+$0x0] =	vst v56  }
0x132: {  	s26 =	sor.u32 s1, s8;
	[tilespmem:s25+$0x0] =	vst v57  }
0x133: {  	s11 =	simm.s32 $0xF388;
	s13 =	simm.s32 $0xFB58;
	s28 =	sor.u32 s1, s17;
	[tilespmem:s26+$0x0] =	vst v58  }
.Ltmp14:
0x134: {  	s14 =	simm.s32 $0xFF40;
	s29 =	sor.u32 s1, s31;
	[tilespmem:s28+$0x0] =	vst v59;
	(pc) =	sbr.rel @!p0 .LBB2_20-.Ltmp14, $4  }
0x135: {  	s15 =	simm.s32 $0x10328;
	s6 =	simm.s32 $0xEFA0;
	s30 =	sor.u32 s1, s18;
	[tilespmem:s29+$0x0] =	vst v60  }
0x136: {  	s16 =	simm.s32 $0x10710;
	s17 =	simm.s32 $0x10AF8;
	s31 =	sor.u32 s1, s12;
	[tilespmem:s30+$0x0] =	vst v61  }
0x137: {  	s18 =	simm.s32 $0x10EE0;
	s0 =	sor.u32 s1, s21;
	s21 =	simm.s32 $0x11A98;
	[tilespmem:s31+$0x0] =	vst v62  }
0x138: {  	s12 =	simm.s32 $0xF770;
	s19 =	simm.s32 $0x112C8;
	s20 =	simm.s32 $0x116B0;
	[tilespmem:s0+$0x0] =	vst v63  }
0x139: {  	s0 =	rddreg [dreg:$0x11]  }
0x13a: {  	s5 =	rddreg [dreg:$0x10];
	p2 =	sne.s32 s0, $0x3E  }
0x13b: {  	s0 =	simm.s32 @p2 $0x0;
	s1 =	rddreg @p2 [dreg:$0xb];
	s2 =	simm.s32 @p2 $0x15E80  }
0x13c: {  	[hbm4b:s1+s0] =	stream.linear.scatter @p2 [tilespmem:s2], [sflag:$0x2], $0x4000, $0x38;
	[tilespmem:$0x1DE80] =	vst v63  }
0x13d: {  	s0 =	smul.u32 @!p2 $0xFA000, s5  }
0x13e: {  	s7 =	simm.s32 $0xE000;
	s8 =	simm.s32 $0xE3E8  }
0x13f: {  	s9 =	simm.s32 $0xE7D0;
	s1 =	rddreg @!p2 [dreg:$0x2];
	s0 =	sshrl.u32 @!p2 s0, $0x3  }
.Ltmp15:
0x140: {  	s2 =	simm.s32 @!p2 $0x15E80;
	s0 =	sadd.s32 @!p2 s1, s0;
	(pc) =	sbr.rel @!p1 .LBB2_25-.Ltmp15, $4  }
.Ltmp16:
0x141: {  	s1 =	simm.s32 @!p2 $0x0;
	s0 =	sadd.s32 @!p2 $0x1F000, s0;
	(pc) =	sbr.rel @p1 .LBB2_22-.Ltmp16, $4  }
0x142: {  	[hbm4b:s0+s1] =	stream.linear.scatter @!p2 [tilespmem:s2], [sflag:$0x2], $0x2000, $0x38;
	[tilespmem:$0x1DE80] =	vst v63  }
0x143: {  	s10 =	simm.s32 $0xEBB8;
	s0 =	rddreg @!p2 [dreg:$0xb];
	s2 =	simm.s32 @!p2 $0x17E80  }
0x144: {  	[hbm4b:s0+s1] =	stream.linear.scatter @!p2 [tilespmem:s2], [sflag:$0x2], $0x2000, $0x38;
	[tilespmem:$0x1DE80] =	vst v63  }
0x145: {  	_ = 	snop  }
.LBB2_20:
0x146: {  	s5 =	rddreg [dreg:$0x10]  }
0x147: {  	s1 =	rddreg [dreg:$0x11]  }
0x148: {  	s30 =	rddreg [dreg:$0x2];
	s0 =	smul.u32 $0xFA000, s5  }
.Ltmp17:
0x149: {  	s31 =	simm.s32 $0x0;
	s1 =	sshll.u32 s1, $0xE;
	(pc) =	sbr.rel @p1 .LBB2_22-.Ltmp17, $4  }
.Ltmp18:
0x14a: {  	s2 =	simm.s32 $0x15E80;
	s0 =	sadd.s32 s0, s1;
	(pc) =	sbr.rel @!p1 .LBB2_25-.Ltmp18, $4  }
0x14b: {  	s7 =	simm.s32 $0xE000;
	s8 =	simm.s32 $0xE3E8;
	s0 =	sshrl.u32 s0, $0x3  }
0x14c: {  	s9 =	simm.s32 $0xE7D0;
	s10 =	simm.s32 $0xEBB8;
	s0 =	sadd.s32 s30, s0  }
0x14d: {  	[hbm4b:s0+s31] =	stream.linear.scatter [tilespmem:s2], [sflag:$0x2], $0x4000, $0x38;
	[tilespmem:$0x1DE80] =	vst v63  }
0x14e: {  	_ = 	snop  }
.LBB2_7:
0x14f: {  	p1 =	sne.s32 @!p2 s1, $0x2  }
0x150: {  	p1 =	por p2, p1  }
.Ltmp19:
0x151: {  	_ = 	snop;
	(pc) =	sbr.rel @p1 .LBB2_9-.Ltmp19, $1  }
0x152: {  	_ =	sdelay $0x3  }
0x153: {  	s0 =	simm.s32 $0x3  }
0x154: {  	_ =	swait.ge [sflag:s0], $0x4000  }
0x155: {  	[sflag:s0] =	ssyncset.done $0x0  }
0x156: {  	[sflag:s0] =	ssyncadd.s32 $0xFFFFC000  }
.LBB2_22:
0x157: {  	s0 =	sshll.u32 s5, $0xA;
	s1 =	sshll.u32 s5, $0x7  }
0x158: {  	s0 =	sand.u32 $0xE000, s0;
	s1 =	sand.u32 $0x380, s1  }
0x159: {  	s0 =	sor.u32 s1, s0  }
0x15a: {  	s3 =	simm.s32 $0x0;
	[dreg:$0x6] =	wrdreg s0  }
0x15b: {  	s4 =	sand.u32 $0x60, s3;
	s0 =	sand.u32 $0x1C00, s3;
	s23 =	rddreg [dreg:$0x6]  }
0x15c: {  	s1 =	sor.u32 $0x10, s4;
	s2 =	sadd.s32 s0, s23  }
0x15d: {  	s24 =	sadd.s32 s1, s2  }
0x15e: {  	v1 =	vld [tilespmem:s24+$0x0];
	_ =	sdelay $0x5  }
0x15f: {  	s2 =	sadd.s32 s4, s2  }
0x160: {  	v0 =	vld [tilespmem:s2+$0x0]  }
0x161: {  	v2 =	vld.idx.msk [tilespmem:v1+s7+$0x0], $0xffff  }
0x162: {  	v4 =	vld.idx.msk [tilespmem:v1+s8+$0x0], $0xffff  }
0x163: {  	v6 =	vld.idx.msk [tilespmem:v1+s9+$0x0], $0xffff  }
0x164: {  	v16 =	vld.idx.msk [tilespmem:v1+s10+$0x0], $0xffff  }
0x165: {  	v17 =	vld.idx.msk [tilespmem:v1+s6+$0x0], $0xffff  }
0x166: {  	v15 =	vld.idx.msk [tilespmem:v1+s11+$0x0], $0xffff  }
0x167: {  	v14 =	vld.idx.msk [tilespmem:v1+s12+$0x0], $0xffff  }
0x168: {  	v13 =	vld.idx.msk [tilespmem:v1+s13+$0x0], $0xffff  }
0x169: {  	v12 =	vld.idx.msk [tilespmem:v1+s14+$0x0], $0xffff  }
0x16a: {  	v11 =	vld.idx.msk [tilespmem:v1+s15+$0x0], $0xffff  }
0x16b: {  	v10 =	vld.idx.msk [tilespmem:v1+s16+$0x0], $0xffff  }
0x16c: {  	v9 =	vld.idx.msk [tilespmem:v1+s17+$0x0], $0xffff  }
0x16d: {  	v8 =	vld.idx.msk [tilespmem:v1+s18+$0x0], $0xffff  }
0x16e: {  	s25 =	sadd.s32 $0x19E80, s0;
	v7 =	vld.idx.msk [tilespmem:v1+s19+$0x0], $0xffff  }
0x16f: {  	s29 =	sor.u32 s1, s25;
	v5 =	vld.idx.msk [tilespmem:v1+s20+$0x0], $0xffff  }
0x170: {  	s28 =	sor.u32 s3, s3;
	v3 =	vld.idx.msk [tilespmem:v1+s21+$0x0], $0xffff;
	[tilespmem:s29+$0x0] =	vst v2  }
0x171: {  	s26 =	sand.u32 $0x3, s3;
	s6 =	sor.u32 $0x380, s28;
	[tilespmem:s29+$0x80] =	vst v4  }
0x172: {  	s5 =	sshll.u32 s26, $0x5;
	v1 =	vld.idx.msk [tilespmem:v0+s7+$0x0], $0xffff;
	[dreg:$0x9] =	wrdreg s6  }
0x173: {  	s31 =	sadd.s32 $0x0, s5;
	v2 =	vld.idx.msk [tilespmem:v0+s8+$0x0], $0xffff;
	[tilespmem:s29+$0x100] =	vst v6  }
0x174: {  	s5 =	simm.s32 $0x0;
	s30 =	sadd.s32 $0x10, s31;
	s2 =	sor.u32 s4, s25;
	v4 =	vld.idx.msk [tilespmem:v0+s9+$0x0], $0xffff;
	[tilespmem:s29+$0x180] =	vst v16  }
0x175: {  	s7 =	sor.u32 $0x300, s31;
	s6 =	simm.s32 $0x0;
	v6 =	vld.idx.msk [tilespmem:v0+s10+$0x0], $0xffff;
	[tilespmem:s29+$0x200] =	vst v17;
	s10 =	simm.s32 $0x100  }
.LBB2_23:
0x176: {  	s8 =	rddreg [dreg:$0x6]  }
0x177: {  	s21 =	simm.s32 $0xEFA0;
	s9 =	sor.u32 $0x300, s30;
	s3 =	sadd.s32 $0x20, s3  }
0x178: {  	s11 =	simm.s32 $0xF388;
	s26 =	sadd.s32 $0x1BE80, s0;
	s18 =	sor.u32 $0x380, s30  }
0x179: {  	s12 =	sand.u32 $0x1C00, s10;
	s13 =	simm.s32 $0xF770;
	s14 =	simm.s32 $0xFB58;
	v16 =	vld.idx.msk [tilespmem:v0+s21+$0x0], $0xffff;
	[tilespmem:s29+$0x280] =	vst v15  }
0x17a: {  	s15 =	sor.u32 $0x1C000, s0;
	s17 =	simm.s32 $0xFF40;
	s30 =	sor.u32 $0x1C080, s0;
	v15 =	vld.idx.msk [tilespmem:v0+s11+$0x0], $0xffff;
	[tilespmem:s9+$0x19E80] =	vst v14  }
0x17b: {  	s19 =	sor.u32 s1, s26;
	s8 =	sadd.s32 s12, s8;
	v14 =	vld.idx.msk [tilespmem:v0+s13+$0x0], $0xffff;
	s13 =	sadd.s32 $0x1BF00, s0;
	[tilespmem:s18+$0x19E80] =	vst v13  }
0x17c: {  	s29 =	sand.u32 $0x60, s3;
	v13 =	vld.idx.msk [tilespmem:v0+s14+$0x0], $0xffff;
	s14 =	sadd.s32 $0x1BF80, s0;
	s20 =	sor.u32 s1, s13;
	[tilespmem:s19+$0x0] =	vst v12  }
0x17d: {  	s16 =	sor.u32 $0x10, s29;
	s18 =	simm.s32 $0x10328;
	v12 =	vld.idx.msk [tilespmem:v0+s17+$0x0], $0xffff;
	s22 =	sor.u32 s1, s14;
	[tilespmem:s20+$0x0] =	vst v11  }
0x17e: {  	s25 =	sor.u32 $0x1C100, s0;
	s31 =	sor.u32 $0x1C180, s0;
	s23 =	sadd.s32 s16, s8;
	v11 =	vld.idx.msk [tilespmem:v0+s18+$0x0], $0xffff;
	[tilespmem:s22+$0x0] =	vst v10  }
0x17f: {  	s20 =	sor.u32 $0x1C200, s0;
	s0 =	smov.u32 s12;
	s12 =	simm.s32 $0x11A98;
	v17 =	vld [tilespmem:s23+$0x0]  }
0x180: {  	s24 =	sor.u32 s1, s15;
	s8 =	sadd.s32 s29, s8;
	v19 =	vld.idx.msk [tilespmem:v0+s12+$0x0], $0xffff  }
0x181: {  	s28 =	sor.u32 s1, s30;
	s22 =	simm.s32 $0x10710;
	[tilespmem:s24+$0x0] =	vst v9;
	v9 =	vld [tilespmem:s8+$0x0]  }
0x182: {  	s19 =	sor.u32 s1, s25;
	s23 =	simm.s32 $0x10AF8;
	[tilespmem:s28+$0x0] =	vst v8;
	v8 =	vld.idx.msk [tilespmem:v0+s22+$0x0], $0xffff  }
0x183: {  	s11 =	sor.u32 s4, s26;
	s26 =	sor.u32 s1, s31;
	s24 =	simm.s32 $0x10EE0;
	[tilespmem:s19+$0x0] =	vst v7;
	v7 =	vld.idx.msk [tilespmem:v0+s23+$0x0], $0xffff  }
0x184: {  	s17 =	sor.u32 s4, s25;
	s25 =	simm.s32 $0x112C8;
	s28 =	sor.u32 s1, s20;
	[tilespmem:s26+$0x0] =	vst v5;
	v5 =	vld.idx.msk [tilespmem:v0+s24+$0x0], $0xffff  }
0x185: {  	s26 =	simm.s32 $0x116B0;
	[tilespmem:s28+$0x0] =	vst v3;
	v3 =	vld.idx.msk [tilespmem:v0+s25+$0x0], $0xffff  }
0x186: {  	v18 =	vld.idx.msk [tilespmem:v0+s26+$0x0], $0xffff;
	[tilespmem:s2+$0x0] =	vst v1;
	s28 =	simm.s32 $0xE000  }
0x187: {  	s18 =	sor.u32 s10, s3;
	s1 =	smov.u32 s16;
	s16 =	simm.s32 $0xE3E8;
	[tilespmem:s2+$0x80] =	vst v2;
	v1 =	vld.idx.msk [tilespmem:v17+s28+$0x0], $0xffff  }
0x188: {  	s8 =	sor.u32 $0x380, s18;
	s18 =	simm.s32 $0xE7D0;
	[tilespmem:s2+$0x100] =	vst v4;
	v2 =	vld.idx.msk [tilespmem:v17+s16+$0x0], $0xffff  }
0x189: {  	s19 =	simm.s32 $0xEBB8;
	[tilespmem:s2+$0x180] =	vst v6;
	v4 =	vld.idx.msk [tilespmem:v17+s18+$0x0], $0xffff  }
0x18a: {  	[tilespmem:s2+$0x200] =	vst v16;
	v6 =	vld.idx.msk [tilespmem:v17+s19+$0x0], $0xffff  }
0x18b: {  	[tilespmem:s2+$0x280] =	vst v15;
	s2 =	simm.s32 $0xF388;
	v16 =	vld.idx.msk [tilespmem:v17+s21+$0x0], $0xffff  }
0x18c: {  	[tilespmem:s7+$0x19E80] =	vst v14;
	s7 =	simm.s32 $0xF770;
	v15 =	vld.idx.msk [tilespmem:v17+s2+$0x0], $0xffff  }
0x18d: {  	v14 =	vld.idx.msk [tilespmem:v17+s7+$0x0], $0xffff  }
0x18e: {  	s7 =	rddreg [dreg:$0x9];
	v10 =	vld.idx.msk [tilespmem:v17+s22+$0x0], $0xffff  }
0x18f: {  	v0 =	vmov v9;
	v9 =	vld.idx.msk [tilespmem:v17+s23+$0x0], $0xffff;
	[tilespmem:s7+$0x19E80] =	vst v13;
	s7 =	smov.u32 s8;
	s8 =	simm.s32 $0xFF40  }
0x190: {  	s13 =	sor.u32 s4, s13;
	[dreg:$0x9] =	wrdreg s7;
	s7 =	simm.s32 $0xFB58;
	[tilespmem:s11+$0x0] =	vst v12;
	v12 =	vld.idx.msk [tilespmem:v17+s8+$0x0], $0xffff  }
0x191: {  	s14 =	sor.u32 s4, s14;
	v13 =	vld.idx.msk [tilespmem:v17+s7+$0x0], $0xffff;
	[tilespmem:s13+$0x0] =	vst v11;
	s13 =	simm.s32 $0x10328  }
0x192: {  	s9 =	sor.u32 s4, s15;
	v11 =	vld.idx.msk [tilespmem:v17+s13+$0x0], $0xffff;
	[tilespmem:s14+$0x0] =	vst v8  }
0x193: {  	s15 =	sor.u32 s4, s30;
	v8 =	vld.idx.msk [tilespmem:v17+s24+$0x0], $0xffff;
	[tilespmem:s9+$0x0] =	vst v7  }
0x194: {  	s30 =	sor.u32 s4, s31;
	s24 =	sadd.s32 $0x19E80, s0;
	v7 =	vld.idx.msk [tilespmem:v17+s25+$0x0], $0xffff;
	[tilespmem:s15+$0x0] =	vst v5  }
0x195: {  	s31 =	sor.u32 s4, s20;
	s4 =	smov.u32 s29;
	s29 =	sor.u32 s1, s24;
	v5 =	vld.idx.msk [tilespmem:v17+s26+$0x0], $0xffff;
	[tilespmem:s17+$0x0] =	vst v3  }
0x196: {  	s5 =	sadd.s32 $0x2, s5;
	v3 =	vld.idx.msk [tilespmem:v17+s12+$0x0], $0xffff;
	[tilespmem:s29+$0x0] =	vst v1  }
0x197: {  	s6 =	sadd.s32 $0x1, s6;
	p1 =	slt.u32 s5, $0x3E;
	s20 =	simm.s32 $0xEFA0;
	[tilespmem:s30+$0x0] =	vst v18  }
.Ltmp20:
0x198: {  	s21 =	simm.s32 $0xF388;
	s22 =	simm.s32 $0x10EE0;
	[tilespmem:s31+$0x0] =	vst v19;
	(pc) =	sbr.rel @p1 .LBB2_23-.Ltmp20, $4  }
0x199: {  	s11 =	simm.s32 $0xFF40;
	s14 =	simm.s32 $0x116B0;
	s26 =	sand.u32 $0x3, s6;
	[tilespmem:s29+$0x80] =	vst v2;
	v1 =	vld.idx.msk [tilespmem:v0+s28+$0x0], $0xffff  }
0x19a: {  	s13 =	simm.s32 $0x11A98;
	s9 =	simm.s32 $0x10AF8;
	s7 =	sshll.u32 s26, $0x5;
	[tilespmem:s29+$0x100] =	vst v4;
	v2 =	vld.idx.msk [tilespmem:v0+s16+$0x0], $0xffff  }
0x19b: {  	s2 =	sor.u32 s4, s24;
	s15 =	simm.s32 $0x112C8;
	[tilespmem:s29+$0x180] =	vst v6;
	s31 =	sadd.s32 s7, s10;
	v4 =	vld.idx.msk [tilespmem:v0+s18+$0x0], $0xffff  }
0x19c: {  	[tilespmem:s29+$0x200] =	vst v16;
	s10 =	sadd.s32 $0x100, s10;
	v6 =	vld.idx.msk [tilespmem:v0+s19+$0x0], $0xffff;
	s7 =	sor.u32 $0x300, s31;
	s30 =	sadd.s32 $0x10, s31  }
0x19d: {  	_ =	sdelay $0x3  }
0x19e: {  	v16 =	vld.idx.msk [tilespmem:v0+s20+$0x0], $0xffff  }
0x19f: {  	v53 =	vld.idx.msk [tilespmem:v0+s21+$0x0], $0xffff  }
0x1a0: {  	v56 =	vld.idx.msk [tilespmem:v0+s11+$0x0], $0xffff  }
0x1a1: {  	v59 =	vld.idx.msk [tilespmem:v0+s9+$0x0], $0xffff  }
0x1a2: {  	v60 =	vld.idx.msk [tilespmem:v0+s22+$0x0], $0xffff  }
0x1a3: {  	v61 =	vld.idx.msk [tilespmem:v0+s15+$0x0], $0xffff  }
0x1a4: {  	v62 =	vld.idx.msk [tilespmem:v0+s14+$0x0], $0xffff  }
0x1a5: {  	s6 =	simm.s32 $0xF770;
	v63 =	vld.idx.msk [tilespmem:v0+s13+$0x0], $0xffff  }
0x1a6: {  	s8 =	simm.s32 $0xFB58;
	v54 =	vld.idx.msk [tilespmem:v0+s6+$0x0], $0xffff  }
0x1a7: {  	[tilespmem:s29+$0x280] =	vst v15;
	s3 =	sor.u32 $0x300, s30;
	s10 =	simm.s32 $0x10328;
	v55 =	vld.idx.msk [tilespmem:v0+s8+$0x0], $0xffff  }
0x1a8: {  	s16 =	simm.s32 $0x10710;
	[tilespmem:s3+$0x19E80] =	vst v14;
	v57 =	vld.idx.msk [tilespmem:v0+s10+$0x0], $0xffff  }
0x1a9: {  	s24 =	sor.u32 $0x380, s30;
	v58 =	vld.idx.msk [tilespmem:v0+s16+$0x0], $0xffff;
	[tilespmem:s2+$0x0] =	vst v1  }
0x1aa: {  	s5 =	sadd.s32 $0x1BE80, s0;
	[tilespmem:s24+$0x19E80] =	vst v13  }
0x1ab: {  	s26 =	sor.u32 s1, s5;
	[tilespmem:s2+$0x80] =	vst v2  }
0x1ac: {  	s25 =	sadd.s32 $0x1BF00, s0;
	[tilespmem:s26+$0x0] =	vst v12  }
0x1ad: {  	s29 =	sor.u32 s1, s25;
	[tilespmem:s2+$0x100] =	vst v4  }
0x1ae: {  	s28 =	sadd.s32 $0x1BF80, s0;
	[tilespmem:s29+$0x0] =	vst v11  }
0x1af: {  	s30 =	sor.u32 s1, s28;
	[tilespmem:s2+$0x180] =	vst v6  }
0x1b0: {  	[tilespmem:s30+$0x0] =	vst v10  }
0x1b1: {  	s17 =	sor.u32 $0x1C000, s0;
	[tilespmem:s2+$0x200] =	vst v16  }
0x1b2: {  	s12 =	sor.u32 s1, s17;
	[tilespmem:s2+$0x280] =	vst v53  }
0x1b3: {  	s31 =	sor.u32 $0x1C080, s0;
	[tilespmem:s12+$0x0] =	vst v9  }
0x1b4: {  	s18 =	sor.u32 $0x1C100, s0;
	s19 =	sor.u32 s1, s31;
	[tilespmem:s7+$0x19E80] =	vst v54  }
0x1b5: {  	s20 =	sor.u32 s1, s18;
	s12 =	sor.u32 $0x1C180, s0;
	[tilespmem:s19+$0x0] =	vst v8  }
0x1b6: {  	s21 =	sor.u32 $0x1C200, s0;
	s22 =	sor.u32 s1, s12;
	[tilespmem:s20+$0x0] =	vst v7  }
0x1b7: {  	s23 =	sor.u32 s1, s21;
	[tilespmem:s22+$0x0] =	vst v5  }
0x1b8: {  	[tilespmem:s23+$0x0] =	vst v3  }
0x1b9: {  	s1 =	rddreg [dreg:$0x9]  }
0x1ba: {  	s24 =	sor.u32 s4, s5;
	[tilespmem:s1+$0x19E80] =	vst v55  }
0x1bb: {  	s25 =	sor.u32 s4, s25;
	[tilespmem:s24+$0x0] =	vst v56  }
0x1bc: {  	s26 =	sor.u32 s4, s28;
	[tilespmem:s25+$0x0] =	vst v57  }
0x1bd: {  	s28 =	sor.u32 s4, s17;
	[tilespmem:s26+$0x0] =	vst v58  }
0x1be: {  	s29 =	sor.u32 s4, s31;
	[tilespmem:s28+$0x0] =	vst v59  }
0x1bf: {  	s30 =	sor.u32 s4, s18;
	[tilespmem:s29+$0x0] =	vst v60  }
0x1c0: {  	s31 =	sor.u32 s4, s12;
	[tilespmem:s30+$0x0] =	vst v61  }
0x1c1: {  	s0 =	sor.u32 s4, s21;
	s6 =	rddreg [dreg:$0x11];
	[tilespmem:s31+$0x0] =	vst v62  }
0x1c2: {  	s9 =	simm.s32 $0xE7D0;
	s11 =	simm.s32 $0xF388;
	s13 =	simm.s32 $0xFB58;
	[tilespmem:s0+$0x0] =	vst v63  }
0x1c3: {  	s14 =	simm.s32 $0xFF40;
	p1 =	sne.s32 @p0 s6, $0x3E;
	s5 =	rddreg [dreg:$0x10]  }
0x1c4: {  	p2 =	por !p1, !p0;
	p1 =	por p1, !p0;
	s4 =	rddreg [dreg:$0xb]  }
0x1c5: {  	s0 =	simm.s32 @!p2 $0x0;
	s1 =	simm.s32 @!p2 $0x19E80;
	s2 =	smul.u32 @!p1 $0xFA000, s5  }
0x1c6: {  	[hbm4b:s4+s0] =	stream.linear.scatter @!p2 [tilespmem:s1], [sflag:$0x3], $0x4000, $0x38;
	[tilespmem:$0x1DE80] =	vst v63  }
0x1c7: {  	s15 =	simm.s32 $0x10328;
	s3 =	rddreg [dreg:$0x2];
	s0 =	sshrl.u32 @!p1 s2, $0x3  }
0x1c8: {  	s8 =	simm.s32 $0xE3E8;
	s10 =	simm.s32 $0xEBB8;
	s0 =	sadd.s32 @!p1 s3, s0  }
0x1c9: {  	s1 =	simm.s32 @!p1 $0x0;
	s2 =	simm.s32 @!p1 $0x19E80;
	s0 =	sadd.s32 @!p1 $0x1F000, s0  }
0x1ca: {  	[hbm4b:s0+s1] =	stream.linear.scatter @!p1 [tilespmem:s2], [sflag:$0x3], $0x2000, $0x38;
	[tilespmem:$0x1DE80] =	vst v63  }
0x1cb: {  	s16 =	simm.s32 $0x10710;
	s17 =	simm.s32 $0x10AF8;
	s0 =	simm.s32 @!p1 $0x1BE80  }
0x1cc: {  	[hbm4b:s4+s1] =	stream.linear.scatter @!p1 [tilespmem:s0], [sflag:$0x3], $0x2000, $0x38;
	[tilespmem:$0x1DE80] =	vst v63  }
0x1cd: {  	s18 =	simm.s32 $0x10EE0;
	s7 =	simm.s32 $0xE000;
	s0 =	smul.u32 @!p0 $0xFA000, s5  }
.Ltmp21:
0x1ce: {  	s21 =	simm.s32 $0x11A98;
	s1 =	sshll.u32 @!p0 s6, $0xE;
	(pc) =	sbr.rel .LBB2_25-.Ltmp21, $4  }
0x1cf: {  	s12 =	simm.s32 $0xF770;
	s19 =	simm.s32 $0x112C8;
	s0 =	sadd.s32 @!p0 s0, s1  }
0x1d0: {  	s20 =	simm.s32 $0x116B0;
	s2 =	simm.s32 @!p0 $0x19E80;
	s0 =	sshrl.u32 @!p0 s0, $0x3  }
0x1d1: {  	s6 =	simm.s32 $0xEFA0;
	s1 =	simm.s32 @!p0 $0x0;
	s0 =	sadd.s32 @!p0 s3, s0  }
0x1d2: {  	[hbm4b:s0+s1] =	stream.linear.scatter @!p0 [tilespmem:s2], [sflag:$0x3], $0x4000, $0x38;
	[tilespmem:$0x1DE80] =	vst v63  }
.LBB2_9:
0x1d3: {  	s0 =	sand.u32 $0xFF, s0  }
0x1d4: {  	p2 =	seq.s32 s0, $0x1  }
.Ltmp22:
0x1d5: {  	_ = 	snop;
	(pc) =	sbr.rel @p2 .LBB2_6-.Ltmp22, $2  }
0x1d6: {  	_ =	sdelay $0x2  }
0x1d7: {  	p1 =	seq.s32 s0, $0x2  }
0x1d8: {  	p3 =	sne.s32 s0, $0x0  }
.Ltmp23:
0x1d9: {  	_ = 	snop;
	(pc) =	sbr.rel @!p3 .LBB2_11-.Ltmp23, $4  }
.Ltmp24:
0x1da: {  	_ = 	snop;
	(pc) =	sbr.rel @p3 .LBB2_15-.Ltmp24, $4  }
0x1db: {  	_ = 	snop  }
0x1dc: {  	_ = 	snop  }
0x1dd: {  	_ = 	snop  }
0x1de: {  	_ = 	snop  }
.LBB2_27:
0x1df: {  	_ =	sfence.sel $0x180000  }
0x1e0: {  	[bflag:$0x0] =	sbarrier.arrive $0xFFFF  }
0x1e1: {  	_ =	strace $0x90000047  }
0x1e2: {  	s0 =	stileid.u32;
	[bflag:$0x2] =	sbarrier.arrive $0xFFFF  }
0x1e3: {  	p0 =	sne.s32 s0, $0x0;
	s0 =	rddreg [dreg:$0x3]  }
0x1e4: {  	s0 =	sadd.s32 @!p0 $0x100000, s0  }
0x1e5: {  	[sflag:s0] =	ssyncadd.tile.s32 @!p0 $0x1;
	_ =	shalt  }
.Lfunc_end2:
_tile_overlayer_lowered:
.L_overlay_start_2:
0x1e6: {  	(tag) =	ssettag $0x2  }
0x1e7: {  	s0 =	rddreg [dreg:$0x0];
	s2 =	stileid.u32  }
0x1e8: {  	s1 =	rddreg [dreg:$0x1];
	p0 =	sne.s32 s2, $0x0  }
0x1e9: {  	s3 =	rddreg [dreg:$0x2];
	[bflag:$0x3] =	sbarrier.arrive $0xFFFF;
	s2 =	simm.s32 @!p0 $0x1C05  }
0x1ea: {  	[timem:s3], [sflag:s2] =	dma.local @!p0 [hbm:s0], s1  }
0x1eb: {  	s0 =	simm.s32 @!p0 $0x5  }
0x1ec: {  	_ =	swait.ge @!p0 [sflag:s0], s1  }
0x1ed: {  	s1 =	ssub.s32 @!p0 $0x0, s1;
	[sflag:s0] =	ssyncset.done @!p0 $0x0  }
0x1ee: {  	[sflag:s0] =	ssyncadd.s32 @!p0 s1  }
0x1ef: {  	[bflag:$0x3] =	sbarrier.arrive $0xFFFF  }
0x1f0: {  	_ =	shalt  }

</sc_bundles>
